<compile_context>
chip_gen: v7x
topology: tpu7x:2x2x1
jax: 0.10.2.dev20260603
libtpu: 0.0.44.dev20260713+nightly
codegen_flags: <defaults>
</compile_context>

<pallas_src>
import functools

import jax
import jax.numpy as jnp
from jax import lax
from jax.experimental import pallas as pl
from jax.experimental.pallas import tpu as pltpu
from jax.experimental.pallas import tpu_sc as plsc

T = 2048
D = 768
H = 768
E = 8
DA = 896
BLK = 256
NB = T // BLK + E
P = NB * BLK
LANES = 128

_NC, _NS = 2, 16
_NW = _NC * _NS
_RPW = T // _NW


def _router_body(x_ref, wg_ref, bg_ref, pos_ref, meta_ref, wcol_ref):
    x = x_ref[...]
    logits = jnp.dot(x, wg_ref[...], preferred_element_type=jnp.float32)
    logits = logits + jnp.reshape(bg_ref[...], (1, E))
    col = lax.broadcasted_iota(jnp.int32, (T, E), 1)
    m = jnp.max(logits, axis=1, keepdims=True)
    ex = jnp.exp(logits - m)
    s = jnp.sum(ex, axis=1, keepdims=True)
    w = 1.0 / s
    idx = jnp.min(jnp.where(logits == m, col, E), axis=1, keepdims=True)
    oh = col == idx
    ohi = oh.astype(jnp.int32)

    c128 = lax.broadcasted_iota(jnp.int32, (T, DA - D), 1)
    wcol_ref[...] = jnp.where(c128 == 0, w, 0.0)

    c = ohi
    sh = 1
    while sh < T:
        c = c + jnp.concatenate(
            [jnp.zeros((sh, E), jnp.int32), c[: T - sh, :]], axis=0)
        sh *= 2
    counts = c[T - 1 : T, :]
    rank = jnp.sum(c * ohi, axis=1, keepdims=True) - 1

    nb = (counts + (BLK - 1)) // BLK
    cb = nb
    sh = 1
    while sh < E:
        cb = cb + jnp.concatenate(
            [jnp.zeros((1, sh), jnp.int32), cb[:, : E - sh]], axis=1)
        sh *= 2
    start_blk = cb - nb
    start_row = start_blk * BLK
    pos_ref[...] = (
        jnp.sum(jnp.where(oh, jnp.broadcast_to(start_row, (T, E)), 0),
                axis=1, keepdims=True) + rank)

    used = cb[0:1, E - 1 : E]
    i_ids = lax.broadcasted_iota(jnp.int32, (32, E), 0)
    i_eff = jnp.minimum(i_ids, jnp.broadcast_to(used, (32, E)) - 1)
    sb = jnp.broadcast_to(start_blk, (32, E))
    be = jnp.sum(jnp.where(sb <= i_eff, 1, 0), axis=1, keepdims=True) - 1
    r_ids = lax.broadcasted_iota(jnp.int32, (32, 1), 0)
    meta_ref[...] = jnp.where(r_ids == NB, jnp.broadcast_to(used, (32, 1)), be)


def _router(x2d, W_gate, b_gate):
    return pl.pallas_call(
        _router_body,
        out_shape=(
            jax.ShapeDtypeStruct((T, 1), jnp.int32),
            jax.ShapeDtypeStruct((32, 1), jnp.int32),
            jax.ShapeDtypeStruct((T, DA - D), jnp.float32),
        ),
    )(x2d, W_gate, b_gate)


@functools.cache
def _sc_mesh():
    return plsc.VectorSubcoreMesh(
        core_axis_name="c", subcore_axis_name="s",
        num_cores=_NC, num_subcores=_NS)


def _sc_scatter_body(x_hbm, wcol_hbm, pos_hbm, out_hbm, idx_v, rows_v, sem):
    wid = lax.axis_index("s") * _NC + lax.axis_index("c")
    base = wid * _RPW
    pltpu.sync_copy(pos_hbm.at[pl.ds(base, _RPW)], idx_v)
    pltpu.sync_copy(x_hbm.at[pl.ds(base, _RPW)], rows_v.at[:, pl.ds(0, D)])
    pltpu.sync_copy(wcol_hbm.at[pl.ds(base, _RPW)], rows_v.at[:, pl.ds(D, DA - D)])
    pltpu.async_copy(rows_v, out_hbm.at[idx_v], sem).wait()


def _sc_scatter(x2d, wcol, pos):
    return pl.kernel(
        _sc_scatter_body,
        out_type=jax.ShapeDtypeStruct((P, DA), jnp.float32),
        mesh=_sc_mesh(),
        scratch_types=[
            pltpu.VMEM((_RPW,), jnp.int32),
            pltpu.VMEM((_RPW, DA), jnp.float32),
            pltpu.SemaphoreType.DMA,
        ],
    )(x2d, wcol, pos)


def _sc_gather_body(ys_hbm, pos_hbm, out_hbm, idx_v, rows_v, sem):
    wid = lax.axis_index("s") * _NC + lax.axis_index("c")
    base = wid * _RPW
    pltpu.sync_copy(pos_hbm.at[pl.ds(base, _RPW)], idx_v)
    pltpu.async_copy(ys_hbm.at[idx_v], rows_v, sem).wait()
    pltpu.sync_copy(rows_v, out_hbm.at[pl.ds(base, _RPW)])


def _sc_gather(y_sorted, pos):
    return pl.kernel(
        _sc_gather_body,
        out_type=jax.ShapeDtypeStruct((T, D), jnp.float32),
        mesh=_sc_mesh(),
        scratch_types=[
            pltpu.VMEM((_RPW,), jnp.int32),
            pltpu.VMEM((_RPW, D), jnp.float32),
            pltpu.SemaphoreType.DMA,
        ],
    )(y_sorted, pos)


def _ffn_body(m_ref, x_ref, w1_ref, b1_ref, w2_ref, b2_ref, y_ref):
    i = pl.program_id(0)

    @pl.when(i < m_ref[NB])
    def _():
        xa = x_ref[...]
        xb = xa[:, :D].astype(jnp.bfloat16)
        w1 = w1_ref[0].astype(jnp.bfloat16)
        h = jnp.dot(xb, w1, preferred_element_type=jnp.float32)
        h = h + b1_ref[0]
        h = h * (1.0 / (1.0 + jnp.exp(-h)))
        w2 = w2_ref[0].astype(jnp.bfloat16)
        y = jnp.dot(h.astype(jnp.bfloat16), w2, preferred_element_type=jnp.float32)
        y_ref[...] = (y + b2_ref[0]) * xa[:, D : D + 1]


def _ffn(meta, x_sorted, W1, b1, W2, b2):
    grid_spec = pltpu.PrefetchScalarGridSpec(
        num_scalar_prefetch=1,
        grid=(NB,),
        in_specs=[
            pl.BlockSpec((BLK, DA), lambda i, m: (jnp.minimum(i, m[NB] - 1), 0)),
            pl.BlockSpec((1, D, H), lambda i, m: (m[i], 0, 0)),
            pl.BlockSpec((1, 1, H), lambda i, m: (m[i], 0, 0)),
            pl.BlockSpec((1, H, D), lambda i, m: (m[i], 0, 0)),
            pl.BlockSpec((1, 1, D), lambda i, m: (m[i], 0, 0)),
        ],
        out_specs=pl.BlockSpec((BLK, D), lambda i, m: (jnp.minimum(i, m[NB] - 1), 0)),
    )
    return pl.pallas_call(
        _ffn_body,
        grid_spec=grid_spec,
        out_shape=jax.ShapeDtypeStruct((P, D), jnp.float32),
    )(meta, x_sorted, W1, b1.reshape(E, 1, H), W2, b2.reshape(E, 1, D))


@jax.jit
def kernel(x, W_gate, b_gate, W1, b1, W2, b2):
    x2d = x.reshape(T, D)
    pos, meta, wcol = _router(x2d, W_gate, b_gate)
    pos_flat = pos.reshape(T)
    meta_flat = meta.reshape(32)

    x_sorted = _sc_scatter(x2d, wcol, pos_flat)
    y_sorted = _ffn(meta_flat, x_sorted, W1, b1, W2, b2)
    y2d = _sc_gather(y_sorted, pos_flat)
    return y2d.reshape(x.shape)

# --- scband reference (transcript-rebuilt; emitter-appended) ---
"""Pipeline reference for scband-mo-e-30313879175949 (READ-ONLY COPY).

The authoritative reference and input builder live on the scoring server;
editing this copy changes nothing except your own understanding.
"""

import jax, jax.numpy as jnp
import numpy as np

B, T, D_MODEL, D_HIDDEN, E = 1, 2048, 768, 768, 8


def setup_inputs(seed: int = 0) -> dict:
    key = jax.random.key(seed)
    ks = jax.random.split(key, 6)
    x = jax.random.normal(ks[0], (B, T, D_MODEL), dtype=jnp.float32)
    W_gate = jax.random.normal(ks[1], (D_MODEL, E), dtype=jnp.float32) * 0.02
    b_gate = jnp.zeros((E,), dtype=jnp.float32)
    W1 = jax.random.normal(ks[2], (E, D_MODEL, D_HIDDEN), dtype=jnp.float32) * 0.02
    b1 = jnp.zeros((E, D_HIDDEN), dtype=jnp.float32)
    W2 = jax.random.normal(ks[3], (E, D_HIDDEN, D_MODEL), dtype=jnp.float32) * 0.02
    b2 = jnp.zeros((E, D_MODEL), dtype=jnp.float32)
    return {"x": x, "W_gate": W_gate, "b_gate": b_gate, "W1": W1, "b1": b1, "W2": W2, "b2": b2}


def reference(x, W_gate, b_gate, W1, b1, W2, b2):
    num_experts = W_gate.shape[-1]
    gate_logits = jnp.einsum('btd,de->bte', x, W_gate) + b_gate
    gate_scores = jax.nn.softmax(gate_logits, axis=-1)
    top1_idx = jnp.argmax(gate_scores, axis=-1)
    top1_mask = jax.nn.one_hot(top1_idx, num_experts, dtype=jnp.float32)
    top1_weight = jnp.sum(gate_scores * top1_mask, axis=-1, keepdims=True)
    y = jnp.zeros_like(x)
    for e in range(num_experts):
        mask = top1_mask[..., e][..., None]
        x_e = x * mask
        h = jax.nn.silu(jnp.einsum('btd,dh->bth', x_e, W1[e]) + b1[e])
        out_e = (jnp.einsum('bth,hd->btd', h, W2[e]) + b2[e]) * mask
        y = y + out_e
    y = y * top1_weight
    return y

if __name__ == "__main__":
    import jax
    _d = setup_inputs()
    print(jax.jit(kernel)(*tuple(_d.values())))

</pallas_src>

<mosaic_0001>
#map = affine_map<(d0, d1) -> (0, 0)>
#map1 = affine_map<(d0, d1) -> (0)>
module attributes {stable_mosaic.version = 14 : i64} {
  func.func @_sc_gather_body(%arg0: i32, %arg1: i32, %arg2: memref<4096x768xf32, #tpu.memory_space<hbm>>, %arg3: memref<2048xi32, #tpu.memory_space<hbm>>, %arg4: memref<2048x768xf32, #tpu.memory_space<hbm>>, %arg5: memref<64xi32, #tpu.memory_space<vmem>>, %arg6: memref<64x768xf32, #tpu.memory_space<vmem>>, %arg7: memref<!tpu.dma_semaphore, #tpu.memory_space<semaphore_mem>>) attributes {dimension_semantics = [#tpu.dimension_semantics<core_parallel>, #tpu.dimension_semantics<subcore_parallel>], iteration_bounds = array<i64: 2, 16>, scalar_prefetch = 0 : i64, scratch_operands = 3 : i64, tpu.core_type = #tpu.core_type<sc_vector_subcore>, window_params = [{transform_indices = #map}, {transform_indices = #map1}, {transform_indices = #map}]} {
    %mul3A = arith.constant 2 : i32
    %mul3A_0 = arith.muli %arg1, %mul3A : i32
    %add3A = arith.addi %mul3A_0, %arg0 : i32
    %mul3A_1 = arith.constant 64 : i32
    %mul3A_2 = arith.muli %add3A, %mul3A_1 : i32
    "tpu.region"() ({
      %run_scoped3A = tpu.sem_alloc : memref<!tpu.dma_semaphore, #tpu.memory_space<semaphore_mem>>
      %dma_start3A_7 = tpu.memref_slice %arg3[%mul3A_2] : memref<2048xi32, #tpu.memory_space<hbm>> -> memref<64xi32, #tpu.memory_space<hbm>>
      %dma_start3A_8 = tpu.memref_slice %arg3[%mul3A_2] : memref<2048xi32, #tpu.memory_space<hbm>> -> memref<64xi32, #tpu.memory_space<hbm>>
      tpu.enqueue_dma source(%dma_start3A_8 : memref<64xi32, #tpu.memory_space<hbm>>) target(%arg5 : memref<64xi32, #tpu.memory_space<vmem>>) target_semaphore(%run_scoped3A : memref<!tpu.dma_semaphore, #tpu.memory_space<semaphore_mem>>)
      %dma_wait3A_9 = tpu.memref_slice %arg3[%mul3A_2] : memref<2048xi32, #tpu.memory_space<hbm>> -> memref<64xi32, #tpu.memory_space<hbm>>
      %dma_wait3A_10 = tpu.memref_slice %arg3[%mul3A_2] : memref<2048xi32, #tpu.memory_space<hbm>> -> memref<64xi32, #tpu.memory_space<hbm>>
      tpu.wait_dma2 semaphore(%run_scoped3A : memref<!tpu.dma_semaphore, #tpu.memory_space<semaphore_mem>>) src(%dma_wait3A_10 : memref<64xi32, #tpu.memory_space<hbm>>) dst(%arg5 : memref<64xi32, #tpu.memory_space<vmem>>)
      tpu.yield
    }) : () -> ()
    %dma_start3A = arith.constant 0 : i32
    %dma_start3A_3 = arith.constant 0 : i32
    %dma_start3A_4 = tpu.memref_slice %arg2[%dma_start3A, %dma_start3A_3] : memref<4096x768xf32, #tpu.memory_space<hbm>> -> memref<4096x768xf32, #tpu.memory_space<hbm>>
    tpu.enqueue_indirect_dma source(%dma_start3A_4 : memref<4096x768xf32, #tpu.memory_space<hbm>>) target(%arg6 : memref<64x768xf32, #tpu.memory_space<vmem>>) offsets(%arg5 : memref<64xi32, #tpu.memory_space<vmem>>) semaphore(%arg7 : memref<!tpu.dma_semaphore, #tpu.memory_space<semaphore_mem>>)
    %dma_wait3A = arith.constant 0 : i32
    %dma_wait3A_5 = arith.constant 0 : i32
    %dma_wait3A_6 = tpu.memref_slice %arg2[%dma_wait3A, %dma_wait3A_5] : memref<4096x768xf32, #tpu.memory_space<hbm>> -> memref<4096x768xf32, #tpu.memory_space<hbm>>
    tpu.wait_indirect_dma semaphore(%arg7 : memref<!tpu.dma_semaphore, #tpu.memory_space<semaphore_mem>>) src(%dma_wait3A_6 : memref<4096x768xf32, #tpu.memory_space<hbm>>) dst(%arg6 : memref<64x768xf32, #tpu.memory_space<vmem>>)
    "tpu.region"() ({
      %run_scoped3A = tpu.sem_alloc : memref<!tpu.dma_semaphore, #tpu.memory_space<semaphore_mem>>
      %dma_start3A_7 = arith.constant 0 : i32
      %dma_start3A_8 = tpu.memref_slice %arg4[%mul3A_2, %dma_start3A_7] : memref<2048x768xf32, #tpu.memory_space<hbm>> -> memref<64x768xf32, #tpu.memory_space<hbm>>
      %dma_start3A_9 = arith.constant 0 : i32
      %dma_start3A_10 = tpu.memref_slice %arg4[%mul3A_2, %dma_start3A_9] : memref<2048x768xf32, #tpu.memory_space<hbm>> -> memref<64x768xf32, #tpu.memory_space<hbm>>
      tpu.enqueue_dma source(%arg6 : memref<64x768xf32, #tpu.memory_space<vmem>>) target(%dma_start3A_10 : memref<64x768xf32, #tpu.memory_space<hbm>>) target_semaphore(%run_scoped3A : memref<!tpu.dma_semaphore, #tpu.memory_space<semaphore_mem>>)
      %dma_wait3A_11 = arith.constant 0 : i32
      %dma_wait3A_12 = tpu.memref_slice %arg4[%mul3A_2, %dma_wait3A_11] : memref<2048x768xf32, #tpu.memory_space<hbm>> -> memref<64x768xf32, #tpu.memory_space<hbm>>
      %dma_wait3A_13 = arith.constant 0 : i32
      %dma_wait3A_14 = tpu.memref_slice %arg4[%mul3A_2, %dma_wait3A_13] : memref<2048x768xf32, #tpu.memory_space<hbm>> -> memref<64x768xf32, #tpu.memory_space<hbm>>
      tpu.wait_dma2 semaphore(%run_scoped3A : memref<!tpu.dma_semaphore, #tpu.memory_space<semaphore_mem>>) src(%arg6 : memref<64x768xf32, #tpu.memory_space<vmem>>) dst(%dma_wait3A_14 : memref<64x768xf32, #tpu.memory_space<hbm>>)
      tpu.yield
    }) : () -> ()
    return
  }
}

#map = affine_map<(d0, d1) -> (0, 0)>
#map1 = affine_map<(d0, d1) -> (0)>
module attributes {stable_mosaic.version = 14 : i64} {
  func.func @_sc_scatter_body(%arg0: i32, %arg1: i32, %arg2: memref<2048x768xf32, #tpu.memory_space<hbm>>, %arg3: memref<2048x128xf32, #tpu.memory_space<hbm>>, %arg4: memref<2048xi32, #tpu.memory_space<hbm>>, %arg5: memref<4096x896xf32, #tpu.memory_space<hbm>>, %arg6: memref<64xi32, #tpu.memory_space<vmem>>, %arg7: memref<64x896xf32, #tpu.memory_space<vmem>>, %arg8: memref<!tpu.dma_semaphore, #tpu.memory_space<semaphore_mem>>) attributes {dimension_semantics = [#tpu.dimension_semantics<core_parallel>, #tpu.dimension_semantics<subcore_parallel>], iteration_bounds = array<i64: 2, 16>, scalar_prefetch = 0 : i64, scratch_operands = 3 : i64, tpu.core_type = #tpu.core_type<sc_vector_subcore>, window_params = [{transform_indices = #map}, {transform_indices = #map}, {transform_indices = #map1}, {transform_indices = #map}]} {
    %mul3A = arith.constant 2 : i32
    %mul3A_0 = arith.muli %arg1, %mul3A : i32
    %add3A = arith.addi %mul3A_0, %arg0 : i32
    %mul3A_1 = arith.constant 64 : i32
    %mul3A_2 = arith.muli %add3A, %mul3A_1 : i32
    "tpu.region"() ({
      %run_scoped3A = tpu.sem_alloc : memref<!tpu.dma_semaphore, #tpu.memory_space<semaphore_mem>>
      %dma_start3A_7 = tpu.memref_slice %arg4[%mul3A_2] : memref<2048xi32, #tpu.memory_space<hbm>> -> memref<64xi32, #tpu.memory_space<hbm>>
      %dma_start3A_8 = tpu.memref_slice %arg4[%mul3A_2] : memref<2048xi32, #tpu.memory_space<hbm>> -> memref<64xi32, #tpu.memory_space<hbm>>
      tpu.enqueue_dma source(%dma_start3A_8 : memref<64xi32, #tpu.memory_space<hbm>>) target(%arg6 : memref<64xi32, #tpu.memory_space<vmem>>) target_semaphore(%run_scoped3A : memref<!tpu.dma_semaphore, #tpu.memory_space<semaphore_mem>>)
      %dma_wait3A_9 = tpu.memref_slice %arg4[%mul3A_2] : memref<2048xi32, #tpu.memory_space<hbm>> -> memref<64xi32, #tpu.memory_space<hbm>>
      %dma_wait3A_10 = tpu.memref_slice %arg4[%mul3A_2] : memref<2048xi32, #tpu.memory_space<hbm>> -> memref<64xi32, #tpu.memory_space<hbm>>
      tpu.wait_dma2 semaphore(%run_scoped3A : memref<!tpu.dma_semaphore, #tpu.memory_space<semaphore_mem>>) src(%dma_wait3A_10 : memref<64xi32, #tpu.memory_space<hbm>>) dst(%arg6 : memref<64xi32, #tpu.memory_space<vmem>>)
      tpu.yield
    }) : () -> ()
    "tpu.region"() ({
      %run_scoped3A = tpu.sem_alloc : memref<!tpu.dma_semaphore, #tpu.memory_space<semaphore_mem>>
      %dma_start3A_7 = arith.constant 0 : i32
      %dma_start3A_8 = arith.constant 0 : i32
      %dma_start3A_9 = tpu.memref_slice %arg7[%dma_start3A_7, %dma_start3A_8] : memref<64x896xf32, #tpu.memory_space<vmem>> -> memref<64x768xf32, #tpu.memory_space<vmem>>
      %dma_start3A_10 = arith.constant 0 : i32
      %dma_start3A_11 = tpu.memref_slice %arg2[%mul3A_2, %dma_start3A_10] : memref<2048x768xf32, #tpu.memory_space<hbm>> -> memref<64x768xf32, #tpu.memory_space<hbm>>
      %dma_start3A_12 = arith.constant 0 : i32
      %dma_start3A_13 = arith.constant 0 : i32
      %dma_start3A_14 = tpu.memref_slice %arg7[%dma_start3A_12, %dma_start3A_13] : memref<64x896xf32, #tpu.memory_space<vmem>> -> memref<64x768xf32, #tpu.memory_space<vmem>>
      %dma_start3A_15 = arith.constant 0 : i32
      %dma_start3A_16 = tpu.memref_slice %arg2[%mul3A_2, %dma_start3A_15] : memref<2048x768xf32, #tpu.memory_space<hbm>> -> memref<64x768xf32, #tpu.memory_space<hbm>>
      tpu.enqueue_dma source(%dma_start3A_16 : memref<64x768xf32, #tpu.memory_space<hbm>>) target(%dma_start3A_14 : memref<64x768xf32, #tpu.memory_space<vmem>>) target_semaphore(%run_scoped3A : memref<!tpu.dma_semaphore, #tpu.memory_space<semaphore_mem>>)
      %dma_wait3A_17 = arith.constant 0 : i32
      %dma_wait3A_18 = arith.constant 0 : i32
      %dma_wait3A_19 = tpu.memref_slice %arg7[%dma_wait3A_17, %dma_wait3A_18] : memref<64x896xf32, #tpu.memory_space<vmem>> -> memref<64x768xf32, #tpu.memory_space<vmem>>
      %dma_wait3A_20 = arith.constant 0 : i32
      %dma_wait3A_21 = tpu.memref_slice %arg2[%mul3A_2, %dma_wait3A_20] : memref<2048x768xf32, #tpu.memory_space<hbm>> -> memref<64x768xf32, #tpu.memory_space<hbm>>
      %dma_wait3A_22 = arith.constant 0 : i32
      %dma_wait3A_23 = arith.constant 0 : i32
      %dma_wait3A_24 = tpu.memref_slice %arg7[%dma_wait3A_22, %dma_wait3A_23] : memref<64x896xf32, #tpu.memory_space<vmem>> -> memref<64x768xf32, #tpu.memory_space<vmem>>
      %dma_wait3A_25 = arith.constant 0 : i32
      %dma_wait3A_26 = tpu.memref_slice %arg2[%mul3A_2, %dma_wait3A_25] : memref<2048x768xf32, #tpu.memory_space<hbm>> -> memref<64x768xf32, #tpu.memory_space<hbm>>
      tpu.wait_dma2 semaphore(%run_scoped3A : memref<!tpu.dma_semaphore, #tpu.memory_space<semaphore_mem>>) src(%dma_wait3A_26 : memref<64x768xf32, #tpu.memory_space<hbm>>) dst(%dma_wait3A_24 : memref<64x768xf32, #tpu.memory_space<vmem>>)
      tpu.yield
    }) : () -> ()
    "tpu.region"() ({
      %run_scoped3A = tpu.sem_alloc : memref<!tpu.dma_semaphore, #tpu.memory_space<semaphore_mem>>
      %dma_start3A_7 = arith.constant 0 : i32
      %dma_start3A_8 = arith.constant 768 : i32
      %dma_start3A_9 = tpu.memref_slice %arg7[%dma_start3A_7, %dma_start3A_8] : memref<64x896xf32, #tpu.memory_space<vmem>> -> memref<64x128xf32, #tpu.memory_space<vmem>>
      %dma_start3A_10 = arith.constant 0 : i32
      %dma_start3A_11 = tpu.memref_slice %arg3[%mul3A_2, %dma_start3A_10] : memref<2048x128xf32, #tpu.memory_space<hbm>> -> memref<64x128xf32, #tpu.memory_space<hbm>>
      %dma_start3A_12 = arith.constant 0 : i32
      %dma_start3A_13 = arith.constant 768 : i32
      %dma_start3A_14 = tpu.memref_slice %arg7[%dma_start3A_12, %dma_start3A_13] : memref<64x896xf32, #tpu.memory_space<vmem>> -> memref<64x128xf32, #tpu.memory_space<vmem>>
      %dma_start3A_15 = arith.constant 0 : i32
      %dma_start3A_16 = tpu.memref_slice %arg3[%mul3A_2, %dma_start3A_15] : memref<2048x128xf32, #tpu.memory_space<hbm>> -> memref<64x128xf32, #tpu.memory_space<hbm>>
      tpu.enqueue_dma source(%dma_start3A_16 : memref<64x128xf32, #tpu.memory_space<hbm>>) target(%dma_start3A_14 : memref<64x128xf32, #tpu.memory_space<vmem>>) target_semaphore(%run_scoped3A : memref<!tpu.dma_semaphore, #tpu.memory_space<semaphore_mem>>)
      %dma_wait3A_17 = arith.constant 0 : i32
      %dma_wait3A_18 = arith.constant 768 : i32
      %dma_wait3A_19 = tpu.memref_slice %arg7[%dma_wait3A_17, %dma_wait3A_18] : memref<64x896xf32, #tpu.memory_space<vmem>> -> memref<64x128xf32, #tpu.memory_space<vmem>>
      %dma_wait3A_20 = arith.constant 0 : i32
      %dma_wait3A_21 = tpu.memref_slice %arg3[%mul3A_2, %dma_wait3A_20] : memref<2048x128xf32, #tpu.memory_space<hbm>> -> memref<64x128xf32, #tpu.memory_space<hbm>>
      %dma_wait3A_22 = arith.constant 0 : i32
      %dma_wait3A_23 = arith.constant 768 : i32
      %dma_wait3A_24 = tpu.memref_slice %arg7[%dma_wait3A_22, %dma_wait3A_23] : memref<64x896xf32, #tpu.memory_space<vmem>> -> memref<64x128xf32, #tpu.memory_space<vmem>>
      %dma_wait3A_25 = arith.constant 0 : i32
      %dma_wait3A_26 = tpu.memref_slice %arg3[%mul3A_2, %dma_wait3A_25] : memref<2048x128xf32, #tpu.memory_space<hbm>> -> memref<64x128xf32, #tpu.memory_space<hbm>>
      tpu.wait_dma2 semaphore(%run_scoped3A : memref<!tpu.dma_semaphore, #tpu.memory_space<semaphore_mem>>) src(%dma_wait3A_26 : memref<64x128xf32, #tpu.memory_space<hbm>>) dst(%dma_wait3A_24 : memref<64x128xf32, #tpu.memory_space<vmem>>)
      tpu.yield
    }) : () -> ()
    %dma_start3A = arith.constant 0 : i32
    %dma_start3A_3 = arith.constant 0 : i32
    %dma_start3A_4 = tpu.memref_slice %arg5[%dma_start3A, %dma_start3A_3] : memref<4096x896xf32, #tpu.memory_space<hbm>> -> memref<4096x896xf32, #tpu.memory_space<hbm>>
    tpu.enqueue_indirect_dma source(%arg7 : memref<64x896xf32, #tpu.memory_space<vmem>>) target(%dma_start3A_4 : memref<4096x896xf32, #tpu.memory_space<hbm>>) offsets(%arg6 : memref<64xi32, #tpu.memory_space<vmem>>) semaphore(%arg8 : memref<!tpu.dma_semaphore, #tpu.memory_space<semaphore_mem>>)
    %dma_wait3A = arith.constant 0 : i32
    %dma_wait3A_5 = arith.constant 0 : i32
    %dma_wait3A_6 = tpu.memref_slice %arg5[%dma_wait3A, %dma_wait3A_5] : memref<4096x896xf32, #tpu.memory_space<hbm>> -> memref<4096x896xf32, #tpu.memory_space<hbm>>
    tpu.wait_indirect_dma semaphore(%arg8 : memref<!tpu.dma_semaphore, #tpu.memory_space<semaphore_mem>>) src(%arg7 : memref<64x896xf32, #tpu.memory_space<vmem>>) dst(%dma_wait3A_6 : memref<4096x896xf32, #tpu.memory_space<hbm>>)
    return
  }
}

module attributes {stable_mosaic.version = 14 : i64} {
  func.func @_ffn_body(%arg0: i32, %arg1: memref<32xi32, #tpu.memory_space<smem>>, %arg2: memref<256x896xf32, #tpu.memory_space<vmem>>, %arg3: memref<1x768x768xf32, #tpu.memory_space<vmem>>, %arg4: memref<1x1x768xf32, #tpu.memory_space<vmem>>, %arg5: memref<1x768x768xf32, #tpu.memory_space<vmem>>, %arg6: memref<1x1x768xf32, #tpu.memory_space<vmem>>, %arg7: memref<256x768xf32, #tpu.memory_space<vmem>>) attributes {dimension_semantics = [#tpu.dimension_semantics<arbitrary>], iteration_bounds = array<i64: 16>, scalar_prefetch = 1 : i64, scratch_operands = 0 : i64, tpu.core_type = #tpu.core_type<tc>, window_params = [{transform_indices = @transform_0, window_bounds = array<i64: 256, 896>}, {transform_indices = @transform_1, window_bounds = array<i64: 1, 768, 768>}, {transform_indices = @transform_2, window_bounds = array<i64: 1, 1, 768>}, {transform_indices = @transform_3, window_bounds = array<i64: 1, 768, 768>}, {transform_indices = @transform_4, window_bounds = array<i64: 1, 1, 768>}, {transform_indices = @transform_5, window_bounds = array<i64: 256, 768>}]} {
    %get3A = arith.constant 16 : index
    %get3A_0 = memref.load %arg1[%get3A] : memref<32xi32, #tpu.memory_space<smem>>
    %lt3A = arith.cmpi slt, %arg0, %get3A_0 : i32
    %convert_element_type3A = arith.extui %lt3A : i1 to i32
    %cond3A = arith.constant 0 : i32
    %cond3A_1 = arith.cmpi ne, %convert_element_type3A, %cond3A : i32
    scf.if %cond3A_1 {
      %get3A_2 = arith.constant 0 : index
      %get3A_3 = arith.constant 0 : index
      %get3A_4 = vector.load %arg2[%get3A_2, %get3A_3] : memref<256x896xf32, #tpu.memory_space<vmem>>, vector<256x896xf32>
      %slice3A = vector.extract_strided_slice %get3A_4 {offsets = [0, 0], sizes = [256, 768], strides = [1, 1]} : vector<256x896xf32> to vector<256x768xf32>
      %convert_element_type3A_5 = arith.truncf %slice3A : vector<256x768xf32> to vector<256x768xbf16>
      %get3A_6 = arith.constant 0 : index
      %get3A_7 = arith.constant 0 : index
      %get3A_8 = arith.constant 0 : index
      %get3A_9 = vector.load %arg3[%get3A_6, %get3A_7, %get3A_8] : memref<1x768x768xf32, #tpu.memory_space<vmem>>, vector<1x768x768xf32>
      %get3A_10 = vector.shape_cast %get3A_9 : vector<1x768x768xf32> to vector<768x768xf32>
      %convert_element_type3A_11 = arith.truncf %get3A_10 : vector<768x768xf32> to vector<768x768xbf16>
      %dot_general3A = arith.constant dense<0.000000e+00> : vector<256x768xf32>
      %dot_general3A_12 = tpu.matmul %convert_element_type3A_5, %convert_element_type3A_11, %dot_general3A {dimension_numbers = #tpu.dot_dimension_numbers<[1], [0], [0], [1], [0, 0, 1, 1], [], []>, transpose_lhs_hint = false} : vector<256x768xbf16>, vector<768x768xbf16>, vector<256x768xf32> -> vector<256x768xf32>
      %get3A_13 = arith.constant 0 : index
      %get3A_14 = arith.constant 0 : index
      %get3A_15 = arith.constant 0 : index
      %get3A_16 = vector.load %arg4[%get3A_13, %get3A_14, %get3A_15] : memref<1x1x768xf32, #tpu.memory_space<vmem>>, vector<1x1x768xf32>
      %get3A_17 = vector.shape_cast %get3A_16 : vector<1x1x768xf32> to vector<1x768xf32>
      %add3A = vector.broadcast %get3A_17 : vector<1x768xf32> to vector<256x768xf32>
      %add3A_18 = arith.addf %dot_general3A_12, %add3A : vector<256x768xf32>
      %neg3A = arith.constant 0.000000e+00 : f32
      %neg3A_19 = vector.broadcast %neg3A : f32 to vector<256x768xf32>
      %neg3A_20 = arith.subf %neg3A_19, %add3A_18 : vector<256x768xf32>
      %exp3A = math.exp %neg3A_20 : vector<256x768xf32>
      %add3A_21 = arith.constant 1.000000e+00 : f32
      %add3A_22 = vector.broadcast %add3A_21 : f32 to vector<256x768xf32>
      %add3A_23 = arith.addf %add3A_22, %exp3A : vector<256x768xf32>
      %div3A = arith.constant 1.000000e+00 : f32
      %div3A_24 = vector.broadcast %div3A : f32 to vector<256x768xf32>
      %div3A_25 = arith.divf %div3A_24, %add3A_23 : vector<256x768xf32>
      %mul3A = arith.mulf %add3A_18, %div3A_25 : vector<256x768xf32>
      %get3A_26 = arith.constant 0 : index
      %get3A_27 = arith.constant 0 : index
      %get3A_28 = arith.constant 0 : index
      %get3A_29 = vector.load %arg5[%get3A_26, %get3A_27, %get3A_28] : memref<1x768x768xf32, #tpu.memory_space<vmem>>, vector<1x768x768xf32>
      %get3A_30 = vector.shape_cast %get3A_29 : vector<1x768x768xf32> to vector<768x768xf32>
      %convert_element_type3A_31 = arith.truncf %get3A_30 : vector<768x768xf32> to vector<768x768xbf16>
      %convert_element_type3A_32 = arith.truncf %mul3A : vector<256x768xf32> to vector<256x768xbf16>
      %dot_general3A_33 = arith.constant dense<0.000000e+00> : vector<256x768xf32>
      %dot_general3A_34 = tpu.matmul %convert_element_type3A_32, %convert_element_type3A_31, %dot_general3A_33 {dimension_numbers = #tpu.dot_dimension_numbers<[1], [0], [0], [1], [0, 0, 1, 1], [], []>, transpose_lhs_hint = false} : vector<256x768xbf16>, vector<768x768xbf16>, vector<256x768xf32> -> vector<256x768xf32>
      %get3A_35 = arith.constant 0 : index
      %get3A_36 = arith.constant 0 : index
      %get3A_37 = arith.constant 0 : index
      %get3A_38 = vector.load %arg6[%get3A_35, %get3A_36, %get3A_37] : memref<1x1x768xf32, #tpu.memory_space<vmem>>, vector<1x1x768xf32>
      %get3A_39 = vector.shape_cast %get3A_38 : vector<1x1x768xf32> to vector<1x768xf32>
      %add3A_40 = vector.broadcast %get3A_39 : vector<1x768xf32> to vector<256x768xf32>
      %add3A_41 = arith.addf %dot_general3A_34, %add3A_40 : vector<256x768xf32>
      %slice3A_42 = vector.extract_strided_slice %get3A_4 {offsets = [0, 768], sizes = [256, 1], strides = [1, 1]} : vector<256x896xf32> to vector<256x1xf32>
      %mul3A_43 = vector.broadcast %slice3A_42 : vector<256x1xf32> to vector<256x768xf32>
      %mul3A_44 = arith.mulf %add3A_41, %mul3A_43 : vector<256x768xf32>
      %swap3A = arith.constant 0 : index
      %swap3A_45 = arith.constant 0 : index
      %swap3A_46 = vector.load %arg7[%swap3A, %swap3A_45] : memref<256x768xf32, #tpu.memory_space<vmem>>, vector<256x768xf32>
      tpu.vector_store %arg7[%swap3A, %swap3A_45], %mul3A_44 {strides = array<i32>} : memref<256x768xf32, #tpu.memory_space<vmem>>, vector<256x768xf32>,
    } else {
    }
    return
  }
  func.func @transform_0(%arg0: i32, %arg1: memref<32xi32, #tpu.memory_space<smem>>) -> (i32, i32) {
    %get3A = arith.constant 16 : index
    %get3A_0 = memref.load %arg1[%get3A] : memref<32xi32, #tpu.memory_space<smem>>
    %sub3A = arith.constant 1 : i32
    %sub3A_1 = arith.subi %get3A_0, %sub3A : i32
    %min3A = arith.minsi %arg0, %sub3A_1 : i32
    %c0_i32 = arith.constant 0 : i32
    %c0_i32_2 = arith.constant 0 : i32
    return %min3A, %c0_i32 : i32, i32
  }
  func.func @transform_1(%arg0: i32, %arg1: memref<32xi32, #tpu.memory_space<smem>>) -> (i32, i32, i32) {
    %get3A = arith.index_cast %arg0 : i32 to index
    %get3A_0 = memref.load %arg1[%get3A] : memref<32xi32, #tpu.memory_space<smem>>
    %c0_i32 = arith.constant 0 : i32
    %c0_i32_1 = arith.constant 0 : i32
    %c0_i32_2 = arith.constant 0 : i32
    return %get3A_0, %c0_i32, %c0_i32_1 : i32, i32, i32
  }
  func.func @transform_2(%arg0: i32, %arg1: memref<32xi32, #tpu.memory_space<smem>>) -> (i32, i32, i32) {
    %get3A = arith.index_cast %arg0 : i32 to index
    %get3A_0 = memref.load %arg1[%get3A] : memref<32xi32, #tpu.memory_space<smem>>
    %c0_i32 = arith.constant 0 : i32
    %c0_i32_1 = arith.constant 0 : i32
    %c0_i32_2 = arith.constant 0 : i32
    return %get3A_0, %c0_i32, %c0_i32_1 : i32, i32, i32
  }
  func.func @transform_3(%arg0: i32, %arg1: memref<32xi32, #tpu.memory_space<smem>>) -> (i32, i32, i32) {
    %get3A = arith.index_cast %arg0 : i32 to index
    %get3A_0 = memref.load %arg1[%get3A] : memref<32xi32, #tpu.memory_space<smem>>
    %c0_i32 = arith.constant 0 : i32
    %c0_i32_1 = arith.constant 0 : i32
    %c0_i32_2 = arith.constant 0 : i32
    return %get3A_0, %c0_i32, %c0_i32_1 : i32, i32, i32
  }
  func.func @transform_4(%arg0: i32, %arg1: memref<32xi32, #tpu.memory_space<smem>>) -> (i32, i32, i32) {
    %get3A = arith.index_cast %arg0 : i32 to index
    %get3A_0 = memref.load %arg1[%get3A] : memref<32xi32, #tpu.memory_space<smem>>
    %c0_i32 = arith.constant 0 : i32
    %c0_i32_1 = arith.constant 0 : i32
    %c0_i32_2 = arith.constant 0 : i32
    return %get3A_0, %c0_i32, %c0_i32_1 : i32, i32, i32
  }
  func.func @transform_5(%arg0: i32, %arg1: memref<32xi32, #tpu.memory_space<smem>>) -> (i32, i32) {
    %get3A = arith.constant 16 : index
    %get3A_0 = memref.load %arg1[%get3A] : memref<32xi32, #tpu.memory_space<smem>>
    %sub3A = arith.constant 1 : i32
    %sub3A_1 = arith.subi %get3A_0, %sub3A : i32
    %min3A = arith.minsi %arg0, %sub3A_1 : i32
    %c0_i32 = arith.constant 0 : i32
    %c0_i32_2 = arith.constant 0 : i32
    return %min3A, %c0_i32 : i32, i32
  }
}

module attributes {stable_mosaic.version = 14 : i64} {
  func.func @_router_body(%arg0: memref<2048x768xf32, #tpu.memory_space<vmem>>, %arg1: memref<768x8xf32, #tpu.memory_space<vmem>>, %arg2: memref<8xf32, #tpu.memory_space<vmem>>, %arg3: memref<2048x1xi32, #tpu.memory_space<vmem>>, %arg4: memref<32x1xi32, #tpu.memory_space<vmem>>, %arg5: memref<2048x128xf32, #tpu.memory_space<vmem>>) attributes {dimension_semantics = [], scalar_prefetch = 0 : i64, scratch_operands = 0 : i64, tpu.core_type = #tpu.core_type<tc>} {
    %get3A = arith.constant 0 : index
    %get3A_0 = arith.constant 0 : index
    %get3A_1 = vector.load %arg0[%get3A, %get3A_0] : memref<2048x768xf32, #tpu.memory_space<vmem>>, vector<2048x768xf32>
    %get3A_2 = arith.constant 0 : index
    %get3A_3 = arith.constant 0 : index
    %get3A_4 = vector.load %arg1[%get3A_2, %get3A_3] : memref<768x8xf32, #tpu.memory_space<vmem>>, vector<768x8xf32>
    %dot_general3A = arith.constant dense<0.000000e+00> : vector<2048x8xf32>
    %dot_general3A_5 = tpu.matmul %get3A_1, %get3A_4, %dot_general3A {dimension_numbers = #tpu.dot_dimension_numbers<[1], [0], [0], [1], [0, 0, 1, 1], [], []>, transpose_lhs_hint = false} : vector<2048x768xf32>, vector<768x8xf32>, vector<2048x8xf32> -> vector<2048x8xf32>
    %get3A_6 = arith.constant 0 : index
    %get3A_7 = vector.load %arg2[%get3A_6] : memref<8xf32, #tpu.memory_space<vmem>>, vector<8xf32>
    %reshape3A = vector.shape_cast %get3A_7 : vector<8xf32> to vector<1x8xf32>
    %add3A = vector.broadcast %reshape3A : vector<1x8xf32> to vector<2048x8xf32>
    %add3A_8 = arith.addf %dot_general3A_5, %add3A : vector<2048x8xf32>
    %iota3A = tpu.iota {dimensions = array<i32: 1>} : vector<2048x8xi32>
    %reduce_max3A = arith.constant dense<0xFF800000> : vector<2048xf32>
    %reduce_max3A_9 = vector.multi_reduction <maximumf>, %add3A_8, %reduce_max3A [1] : vector<2048x8xf32> to vector<2048xf32>
    %broadcast_in_dim3A = vector.shape_cast %reduce_max3A_9 : vector<2048xf32> to vector<2048x1xf32>
    %sub3A = vector.broadcast %broadcast_in_dim3A : vector<2048x1xf32> to vector<2048x8xf32>
    %sub3A_10 = arith.subf %add3A_8, %sub3A : vector<2048x8xf32>
    %exp3A = math.exp %sub3A_10 : vector<2048x8xf32>
    %reduce_sum3A = arith.constant dense<0.000000e+00> : vector<2048xf32>
    %reduce_sum3A_11 = vector.multi_reduction <add>, %exp3A, %reduce_sum3A [1] : vector<2048x8xf32> to vector<2048xf32>
    %broadcast_in_dim3A_12 = vector.shape_cast %reduce_sum3A_11 : vector<2048xf32> to vector<2048x1xf32>
    %div3A = arith.constant 1.000000e+00 : f32
    %div3A_13 = vector.broadcast %div3A : f32 to vector<2048x1xf32>
    %div3A_14 = arith.divf %div3A_13, %broadcast_in_dim3A_12 : vector<2048x1xf32>
    %eq3A = vector.broadcast %broadcast_in_dim3A : vector<2048x1xf32> to vector<2048x8xf32>
    %eq3A_15 = arith.cmpf oeq, %add3A_8, %eq3A : vector<2048x8xf32>
    %jit3A = arith.constant 8 : i32
    %broadcast_in_dim3A_16 = vector.broadcast %jit3A : i32 to vector<2048x8xi32>
    %select_n3A = arith.select %eq3A_15, %iota3A, %broadcast_in_dim3A_16 : vector<2048x8xi1>, vector<2048x8xi32>
    %reduce_min3A = arith.constant dense<2147483647> : vector<2048xi32>
    %reduce_min3A_17 = vector.multi_reduction <minsi>, %select_n3A, %reduce_min3A [1] : vector<2048x8xi32> to vector<2048xi32>
    %broadcast_in_dim3A_18 = vector.shape_cast %reduce_min3A_17 : vector<2048xi32> to vector<2048x1xi32>
    %eq3A_19 = vector.broadcast %broadcast_in_dim3A_18 : vector<2048x1xi32> to vector<2048x8xi32>
    %eq3A_20 = arith.cmpi eq, %iota3A, %eq3A_19 : vector<2048x8xi32>
    %convert_element_type3A = arith.extui %eq3A_20 : vector<2048x8xi1> to vector<2048x8xi32>
    %iota3A_21 = tpu.iota {dimensions = array<i32: 1>} : vector<2048x128xi32>
    %eq3A_22 = arith.constant 0 : i32
    %eq3A_23 = vector.broadcast %eq3A_22 : i32 to vector<2048x128xi32>
    %eq3A_24 = arith.cmpi eq, %iota3A_21, %eq3A_23 : vector<2048x128xi32>
    %jit3A_25 = arith.constant 0.000000e+00 : f32
    %broadcast_in_dim3A_26 = vector.shape_cast %div3A_14 : vector<2048x1xf32> to vector<2048x1xf32>
    %broadcast_in_dim3A_27 = vector.broadcast %broadcast_in_dim3A_26 : vector<2048x1xf32> to vector<2048x128xf32>
    %broadcast_in_dim3A_28 = vector.broadcast %jit3A_25 : f32 to vector<2048x128xf32>
    %select_n3A_29 = arith.select %eq3A_24, %broadcast_in_dim3A_27, %broadcast_in_dim3A_28 : vector<2048x128xi1>, vector<2048x128xf32>
    %swap3A = arith.constant 0 : index
    %swap3A_30 = arith.constant 0 : index
    %swap3A_31 = vector.load %arg5[%swap3A, %swap3A_30] : memref<2048x128xf32, #tpu.memory_space<vmem>>, vector<2048x128xf32>
    tpu.vector_store %arg5[%swap3A, %swap3A_30], %select_n3A_29 {strides = array<i32>} : memref<2048x128xf32, #tpu.memory_space<vmem>>, vector<2048x128xf32>,
    %broadcast_in_dim3A_32 = arith.constant 0 : i32
    %broadcast_in_dim3A_33 = vector.broadcast %broadcast_in_dim3A_32 : i32 to vector<1x8xi32>
    %slice3A = vector.extract_strided_slice %convert_element_type3A {offsets = [0, 0], sizes = [2047, 8], strides = [1, 1]} : vector<2048x8xi32> to vector<2047x8xi32>
    %concatenate3A = tpu.concatenate %broadcast_in_dim3A_33, %slice3A in 0 : vector<1x8xi32>, vector<2047x8xi32> -> vector<2048x8xi32>
    %add3A_34 = arith.addi %convert_element_type3A, %concatenate3A : vector<2048x8xi32>
    %broadcast_in_dim3A_35 = arith.constant 0 : i32
    %broadcast_in_dim3A_36 = vector.broadcast %broadcast_in_dim3A_35 : i32 to vector<2x8xi32>
    %slice3A_37 = vector.extract_strided_slice %add3A_34 {offsets = [0, 0], sizes = [2046, 8], strides = [1, 1]} : vector<2048x8xi32> to vector<2046x8xi32>
    %concatenate3A_38 = tpu.concatenate %broadcast_in_dim3A_36, %slice3A_37 in 0 : vector<2x8xi32>, vector<2046x8xi32> -> vector<2048x8xi32>
    %add3A_39 = arith.addi %add3A_34, %concatenate3A_38 : vector<2048x8xi32>
    %broadcast_in_dim3A_40 = arith.constant 0 : i32
    %broadcast_in_dim3A_41 = vector.broadcast %broadcast_in_dim3A_40 : i32 to vector<4x8xi32>
    %slice3A_42 = vector.extract_strided_slice %add3A_39 {offsets = [0, 0], sizes = [2044, 8], strides = [1, 1]} : vector<2048x8xi32> to vector<2044x8xi32>
    %concatenate3A_43 = tpu.concatenate %broadcast_in_dim3A_41, %slice3A_42 in 0 : vector<4x8xi32>, vector<2044x8xi32> -> vector<2048x8xi32>
    %add3A_44 = arith.addi %add3A_39, %concatenate3A_43 : vector<2048x8xi32>
    %broadcast_in_dim3A_45 = arith.constant 0 : i32
    %broadcast_in_dim3A_46 = vector.broadcast %broadcast_in_dim3A_45 : i32 to vector<8x8xi32>
    %slice3A_47 = vector.extract_strided_slice %add3A_44 {offsets = [0, 0], sizes = [2040, 8], strides = [1, 1]} : vector<2048x8xi32> to vector<2040x8xi32>
    %concatenate3A_48 = tpu.concatenate %broadcast_in_dim3A_46, %slice3A_47 in 0 : vector<8x8xi32>, vector<2040x8xi32> -> vector<2048x8xi32>
    %add3A_49 = arith.addi %add3A_44, %concatenate3A_48 : vector<2048x8xi32>
    %broadcast_in_dim3A_50 = arith.constant 0 : i32
    %broadcast_in_dim3A_51 = vector.broadcast %broadcast_in_dim3A_50 : i32 to vector<16x8xi32>
    %slice3A_52 = vector.extract_strided_slice %add3A_49 {offsets = [0, 0], sizes = [2032, 8], strides = [1, 1]} : vector<2048x8xi32> to vector<2032x8xi32>
    %concatenate3A_53 = tpu.concatenate %broadcast_in_dim3A_51, %slice3A_52 in 0 : vector<16x8xi32>, vector<2032x8xi32> -> vector<2048x8xi32>
    %add3A_54 = arith.addi %add3A_49, %concatenate3A_53 : vector<2048x8xi32>
    %broadcast_in_dim3A_55 = arith.constant 0 : i32
    %broadcast_in_dim3A_56 = vector.broadcast %broadcast_in_dim3A_55 : i32 to vector<32x8xi32>
    %slice3A_57 = vector.extract_strided_slice %add3A_54 {offsets = [0, 0], sizes = [2016, 8], strides = [1, 1]} : vector<2048x8xi32> to vector<2016x8xi32>
    %concatenate3A_58 = tpu.concatenate %broadcast_in_dim3A_56, %slice3A_57 in 0 : vector<32x8xi32>, vector<2016x8xi32> -> vector<2048x8xi32>
    %add3A_59 = arith.addi %add3A_54, %concatenate3A_58 : vector<2048x8xi32>
    %broadcast_in_dim3A_60 = arith.constant 0 : i32
    %broadcast_in_dim3A_61 = vector.broadcast %broadcast_in_dim3A_60 : i32 to vector<64x8xi32>
    %slice3A_62 = vector.extract_strided_slice %add3A_59 {offsets = [0, 0], sizes = [1984, 8], strides = [1, 1]} : vector<2048x8xi32> to vector<1984x8xi32>
    %concatenate3A_63 = tpu.concatenate %broadcast_in_dim3A_61, %slice3A_62 in 0 : vector<64x8xi32>, vector<1984x8xi32> -> vector<2048x8xi32>
    %add3A_64 = arith.addi %add3A_59, %concatenate3A_63 : vector<2048x8xi32>
    %broadcast_in_dim3A_65 = arith.constant 0 : i32
    %broadcast_in_dim3A_66 = vector.broadcast %broadcast_in_dim3A_65 : i32 to vector<128x8xi32>
    %slice3A_67 = vector.extract_strided_slice %add3A_64 {offsets = [0, 0], sizes = [1920, 8], strides = [1, 1]} : vector<2048x8xi32> to vector<1920x8xi32>
    %concatenate3A_68 = tpu.concatenate %broadcast_in_dim3A_66, %slice3A_67 in 0 : vector<128x8xi32>, vector<1920x8xi32> -> vector<2048x8xi32>
    %add3A_69 = arith.addi %add3A_64, %concatenate3A_68 : vector<2048x8xi32>
    %broadcast_in_dim3A_70 = arith.constant 0 : i32
    %broadcast_in_dim3A_71 = vector.broadcast %broadcast_in_dim3A_70 : i32 to vector<256x8xi32>
    %slice3A_72 = vector.extract_strided_slice %add3A_69 {offsets = [0, 0], sizes = [1792, 8], strides = [1, 1]} : vector<2048x8xi32> to vector<1792x8xi32>
    %concatenate3A_73 = tpu.concatenate %broadcast_in_dim3A_71, %slice3A_72 in 0 : vector<256x8xi32>, vector<1792x8xi32> -> vector<2048x8xi32>
    %add3A_74 = arith.addi %add3A_69, %concatenate3A_73 : vector<2048x8xi32>
    %broadcast_in_dim3A_75 = arith.constant 0 : i32
    %broadcast_in_dim3A_76 = vector.broadcast %broadcast_in_dim3A_75 : i32 to vector<512x8xi32>
    %slice3A_77 = vector.extract_strided_slice %add3A_74 {offsets = [0, 0], sizes = [1536, 8], strides = [1, 1]} : vector<2048x8xi32> to vector<1536x8xi32>
    %concatenate3A_78 = tpu.concatenate %broadcast_in_dim3A_76, %slice3A_77 in 0 : vector<512x8xi32>, vector<1536x8xi32> -> vector<2048x8xi32>
    %add3A_79 = arith.addi %add3A_74, %concatenate3A_78 : vector<2048x8xi32>
    %broadcast_in_dim3A_80 = arith.constant 0 : i32
    %broadcast_in_dim3A_81 = vector.broadcast %broadcast_in_dim3A_80 : i32 to vector<1024x8xi32>
    %slice3A_82 = vector.extract_strided_slice %add3A_79 {offsets = [0, 0], sizes = [1024, 8], strides = [1, 1]} : vector<2048x8xi32> to vector<1024x8xi32>
    %concatenate3A_83 = tpu.concatenate %broadcast_in_dim3A_81, %slice3A_82 in 0 : vector<1024x8xi32>, vector<1024x8xi32> -> vector<2048x8xi32>
    %add3A_84 = arith.addi %add3A_79, %concatenate3A_83 : vector<2048x8xi32>
    %slice3A_85 = vector.extract_strided_slice %add3A_84 {offsets = [2047, 0], sizes = [1, 8], strides = [1, 1]} : vector<2048x8xi32> to vector<1x8xi32>
    %mul3A = arith.muli %add3A_84, %convert_element_type3A : vector<2048x8xi32>
    %reduce_sum3A_86 = arith.constant dense<0> : vector<2048xi32>
    %reduce_sum3A_87 = vector.multi_reduction <add>, %mul3A, %reduce_sum3A_86 [1] : vector<2048x8xi32> to vector<2048xi32>
    %broadcast_in_dim3A_88 = vector.shape_cast %reduce_sum3A_87 : vector<2048xi32> to vector<2048x1xi32>
    %sub3A_89 = arith.constant 1 : i32
    %sub3A_90 = vector.broadcast %sub3A_89 : i32 to vector<2048x1xi32>
    %sub3A_91 = arith.subi %broadcast_in_dim3A_88, %sub3A_90 : vector<2048x1xi32>
    %add3A_92 = arith.constant 255 : i32
    %add3A_93 = vector.broadcast %add3A_92 : i32 to vector<1x8xi32>
    %add3A_94 = arith.addi %slice3A_85, %add3A_93 : vector<1x8xi32>
    %jit3A_95 = arith.constant 256 : i32
    %div3A_96 = vector.broadcast %jit3A_95 : i32 to vector<1x8xi32>
    %div3A_97 = arith.divsi %add3A_94, %div3A_96 : vector<1x8xi32>
    %sign3A = arith.constant 0 : i32
    %sign3A_98 = vector.broadcast %sign3A : i32 to vector<1x8xi32>
    %sign3A_99 = arith.cmpi sgt, %add3A_94, %sign3A_98 : vector<1x8xi32>
    %sign3A_100 = arith.extui %sign3A_99 : vector<1x8xi1> to vector<1x8xi32>
    %sign3A_101 = arith.constant 0 : i32
    %sign3A_102 = vector.broadcast %sign3A_101 : i32 to vector<1x8xi32>
    %sign3A_103 = arith.cmpi slt, %add3A_94, %sign3A_102 : vector<1x8xi32>
    %sign3A_104 = arith.extui %sign3A_103 : vector<1x8xi1> to vector<1x8xi32>
    %sign3A_105 = arith.subi %sign3A_100, %sign3A_104 : vector<1x8xi32>
    %sign3A_106 = arith.constant 0 : i32
    %sign3A_107 = arith.cmpi sgt, %jit3A_95, %sign3A_106 : i32
    %sign3A_108 = arith.extui %sign3A_107 : i1 to i32
    %sign3A_109 = arith.constant 0 : i32
    %sign3A_110 = arith.cmpi slt, %jit3A_95, %sign3A_109 : i32
    %sign3A_111 = arith.extui %sign3A_110 : i1 to i32
    %sign3A_112 = arith.subi %sign3A_108, %sign3A_111 : i32
    %ne3A = vector.broadcast %sign3A_112 : i32 to vector<1x8xi32>
    %ne3A_113 = arith.cmpi ne, %sign3A_105, %ne3A : vector<1x8xi32>
    %rem3A = vector.broadcast %jit3A_95 : i32 to vector<1x8xi32>
    %rem3A_114 = arith.remsi %add3A_94, %rem3A : vector<1x8xi32>
    %ne3A_115 = arith.constant 0 : i32
    %ne3A_116 = vector.broadcast %ne3A_115 : i32 to vector<1x8xi32>
    %ne3A_117 = arith.cmpi ne, %rem3A_114, %ne3A_116 : vector<1x8xi32>
    %and3A = arith.andi %ne3A_113, %ne3A_117 : vector<1x8xi1>
    %sub3A_118 = arith.constant 1 : i32
    %sub3A_119 = vector.broadcast %sub3A_118 : i32 to vector<1x8xi32>
    %sub3A_120 = arith.subi %div3A_97, %sub3A_119 : vector<1x8xi32>
    %select_n3A_121 = arith.select %and3A, %sub3A_120, %div3A_97 : vector<1x8xi1>, vector<1x8xi32>
    %broadcast_in_dim3A_122 = arith.constant 0 : i32
    %broadcast_in_dim3A_123 = vector.broadcast %broadcast_in_dim3A_122 : i32 to vector<1x1xi32>
    %slice3A_124 = vector.extract_strided_slice %select_n3A_121 {offsets = [0, 0], sizes = [1, 7], strides = [1, 1]} : vector<1x8xi32> to vector<1x7xi32>
    %concatenate3A_125 = tpu.concatenate %broadcast_in_dim3A_123, %slice3A_124 in 1 : vector<1x1xi32>, vector<1x7xi32> -> vector<1x8xi32>
    %add3A_126 = arith.addi %select_n3A_121, %concatenate3A_125 : vector<1x8xi32>
    %broadcast_in_dim3A_127 = arith.constant 0 : i32
    %broadcast_in_dim3A_128 = vector.broadcast %broadcast_in_dim3A_127 : i32 to vector<1x2xi32>
    %slice3A_129 = vector.extract_strided_slice %add3A_126 {offsets = [0, 0], sizes = [1, 6], strides = [1, 1]} : vector<1x8xi32> to vector<1x6xi32>
    %concatenate3A_130 = tpu.concatenate %broadcast_in_dim3A_128, %slice3A_129 in 1 : vector<1x2xi32>, vector<1x6xi32> -> vector<1x8xi32>
    %add3A_131 = arith.addi %add3A_126, %concatenate3A_130 : vector<1x8xi32>
    %broadcast_in_dim3A_132 = arith.constant 0 : i32
    %broadcast_in_dim3A_133 = vector.broadcast %broadcast_in_dim3A_132 : i32 to vector<1x4xi32>
    %slice3A_134 = vector.extract_strided_slice %add3A_131 {offsets = [0, 0], sizes = [1, 4], strides = [1, 1]} : vector<1x8xi32> to vector<1x4xi32>
    %concatenate3A_135 = tpu.concatenate %broadcast_in_dim3A_133, %slice3A_134 in 1 : vector<1x4xi32>, vector<1x4xi32> -> vector<1x8xi32>
    %add3A_136 = arith.addi %add3A_131, %concatenate3A_135 : vector<1x8xi32>
    %sub3A_137 = arith.subi %add3A_136, %select_n3A_121 : vector<1x8xi32>
    %mul3A_138 = arith.constant 256 : i32
    %mul3A_139 = vector.broadcast %mul3A_138 : i32 to vector<1x8xi32>
    %mul3A_140 = arith.muli %sub3A_137, %mul3A_139 : vector<1x8xi32>
    %broadcast_in_dim3A_141 = vector.shape_cast %mul3A_140 : vector<1x8xi32> to vector<1x8xi32>
    %broadcast_in_dim3A_142 = vector.broadcast %broadcast_in_dim3A_141 : vector<1x8xi32> to vector<2048x8xi32>
    %jit3A_143 = arith.constant 0 : i32
    %broadcast_in_dim3A_144 = vector.broadcast %jit3A_143 : i32 to vector<2048x8xi32>
    %select_n3A_145 = arith.select %eq3A_20, %broadcast_in_dim3A_142, %broadcast_in_dim3A_144 : vector<2048x8xi1>, vector<2048x8xi32>
    %reduce_sum3A_146 = arith.constant dense<0> : vector<2048xi32>
    %reduce_sum3A_147 = vector.multi_reduction <add>, %select_n3A_145, %reduce_sum3A_146 [1] : vector<2048x8xi32> to vector<2048xi32>
    %broadcast_in_dim3A_148 = vector.shape_cast %reduce_sum3A_147 : vector<2048xi32> to vector<2048x1xi32>
    %add3A_149 = arith.addi %broadcast_in_dim3A_148, %sub3A_91 : vector<2048x1xi32>
    %swap3A_150 = arith.constant 0 : index
    %swap3A_151 = arith.constant 0 : index
    %swap3A_152 = vector.load %arg3[%swap3A_150, %swap3A_151] : memref<2048x1xi32, #tpu.memory_space<vmem>>, vector<2048x1xi32>
    tpu.vector_store %arg3[%swap3A_150, %swap3A_151], %add3A_149 {strides = array<i32>} : memref<2048x1xi32, #tpu.memory_space<vmem>>, vector<2048x1xi32>,
    %slice3A_153 = vector.extract_strided_slice %add3A_136 {offsets = [0, 7], sizes = [1, 1], strides = [1, 1]} : vector<1x8xi32> to vector<1x1xi32>
    %iota3A_154 = tpu.iota {dimensions = array<i32: 0>} : vector<32x8xi32>
    %broadcast_in_dim3A_155 = vector.shape_cast %slice3A_153 : vector<1x1xi32> to vector<1x1xi32>
    %broadcast_in_dim3A_156 = vector.broadcast %broadcast_in_dim3A_155 : vector<1x1xi32> to vector<32x8xi32>
    %sub3A_157 = arith.constant 1 : i32
    %sub3A_158 = vector.broadcast %sub3A_157 : i32 to vector<32x8xi32>
    %sub3A_159 = arith.subi %broadcast_in_dim3A_156, %sub3A_158 : vector<32x8xi32>
    %min3A = arith.minsi %iota3A_154, %sub3A_159 : vector<32x8xi32>
    %broadcast_in_dim3A_160 = vector.shape_cast %sub3A_137 : vector<1x8xi32> to vector<1x8xi32>
    %broadcast_in_dim3A_161 = vector.broadcast %broadcast_in_dim3A_160 : vector<1x8xi32> to vector<32x8xi32>
    %le3A = arith.cmpi sle, %broadcast_in_dim3A_161, %min3A : vector<32x8xi32>
    %jit3A_162 = arith.constant 1 : i32
    %jit3A_163 = arith.constant 0 : i32
    %broadcast_in_dim3A_164 = vector.broadcast %jit3A_162 : i32 to vector<32x8xi32>
    %broadcast_in_dim3A_165 = vector.broadcast %jit3A_163 : i32 to vector<32x8xi32>
    %select_n3A_166 = arith.select %le3A, %broadcast_in_dim3A_164, %broadcast_in_dim3A_165 : vector<32x8xi1>, vector<32x8xi32>
    %reduce_sum3A_167 = arith.constant dense<0> : vector<32xi32>
    %reduce_sum3A_168 = vector.multi_reduction <add>, %select_n3A_166, %reduce_sum3A_167 [1] : vector<32x8xi32> to vector<32xi32>
    %broadcast_in_dim3A_169 = vector.shape_cast %reduce_sum3A_168 : vector<32xi32> to vector<32x1xi32>
    %sub3A_170 = arith.constant 1 : i32
    %sub3A_171 = vector.broadcast %sub3A_170 : i32 to vector<32x1xi32>
    %sub3A_172 = arith.subi %broadcast_in_dim3A_169, %sub3A_171 : vector<32x1xi32>
    %iota3A_173 = tpu.iota {dimensions = array<i32: 0>} : vector<32x1xi32>
    %eq3A_174 = arith.constant 16 : i32
    %eq3A_175 = vector.broadcast %eq3A_174 : i32 to vector<32x1xi32>
    %eq3A_176 = arith.cmpi eq, %iota3A_173, %eq3A_175 : vector<32x1xi32>
    %broadcast_in_dim3A_177 = vector.shape_cast %slice3A_153 : vector<1x1xi32> to vector<1x1xi32>
    %broadcast_in_dim3A_178 = vector.broadcast %broadcast_in_dim3A_177 : vector<1x1xi32> to vector<32x1xi32>
    %select_n3A_179 = arith.select %eq3A_176, %broadcast_in_dim3A_178, %sub3A_172 : vector<32x1xi1>, vector<32x1xi32>
    %swap3A_180 = arith.constant 0 : index
    %swap3A_181 = arith.constant 0 : index
    %swap3A_182 = vector.load %arg4[%swap3A_180, %swap3A_181] : memref<32x1xi32, #tpu.memory_space<vmem>>, vector<32x1xi32>
    tpu.vector_store %arg4[%swap3A_180, %swap3A_181], %select_n3A_179 {strides = array<i32>} : memref<32x1xi32, #tpu.memory_space<vmem>>, vector<32x1xi32>,
    return
  }
}

</mosaic_0001>

<sc_bundles>
// kernel: kernel.6.cloned.1.call-start
scs
__scs_entry_jumppad:
0x0: {  	(pc) =	sbr.rel $0x88, $3  }
0x1: {  	(tag) =	ssettag $0x0;
	lr =	simm.s32 $0x1  }
0x2: {  	[smem:$0x3F9A] =	sst lr;
	_ =	strace $0xD0000000  }
0x3: {  	_ = 	snop  }
0x4: {  	_ = 	snop  }
0x5: {  	_ = 	snop  }
0x6: {  	_ = 	snop  }
0x7: {  	_ = 	snop  }
__scs_overlays_trampoline_lowered:
0x8: {  	[smem:$0x3FA9] =	sst s0  }
0x9: {  	[smem:$0x3FAA] =	sst s1  }
0xa: {  	[smem:$0x3FAB] =	sst s2  }
0xb: {  	[smem:$0x3FAC] =	sst s3  }
0xc: {  	[smem:$0x3FAD] =	sst s4  }
0xd: {  	[smem:$0x3FAE] =	sst s5  }
0xe: {  	[smem:$0x3FAF] =	sst s6  }
0xf: {  	[smem:$0x3FB0] =	sst s7  }
0x10: {  	[smem:$0x3FB1] =	sst s8  }
0x11: {  	[smem:$0x3FB2] =	sst s9;
	s0 =	simm.s32 @!p0 $0x0  }
0x12: {  	s1 =	sld [smem:$0x3F98];
	s0 =	simm.s32 @p0 $0x1  }
0x13: {  	[smem:$0x3FB3] =	sst s0;
	s0 =	simm.s32 @!p1 $0x0  }
0x14: {  	s2 =	sld [smem:$0x3F97];
	s0 =	simm.s32 @p1 $0x1  }
0x15: {  	[smem:$0x3FB4] =	sst s0;
	s0 =	simm.s32 @!p2 $0x0  }
0x16: {  	s3 =	sld [smem:$0x3FDB];
	s0 =	simm.s32 @p2 $0x1  }
0x17: {  	s4 =	simm.s32 $0x1BF5;
	[smem:$0x3FB6] =	sst s0  }
0x18: {  	s0 =	sld [smem:$0x3F99];
	_ =	swait.ge [sflag:s4], $0x0  }
0x19: {  	s7 =	sld [smem:$0x3F9A]  }
0x1a: {  	s8 =	sadd.s32 $0xFFFFE003, lr  }
0x1b: {  	s9 =	sadd.s32 $0xFFFFFEF7, lr;
	s5 =	simm.s32 $0xFFFFFFFF;
	p2 =	slt.u32 s8, $0xFFFFF086  }
0x1c: {  	p1 =	slt.u32 s9, $0xF7A;
	s5 =	simm.s32 @!p2 $0x0  }
0x1d: {  	s5 =	simm.s32 @p1 $0x1;
	p0 =	seq.s32 s7, s2  }
0x1e: {  	s7 =	smul.u32 @!p0 $0xF7A, s2;
	p2 =	seq.s32 @!p0 s5, $0x0  }
0x1f: {  	s9 =	smul.u32 $0xF7A, s1;
	s8 =	simm.s32 @!p0 $0x1BF5;
	p2 =	por !p2, p0  }
0x20: {  	[sflag:s8] =	ssyncset.s32 @!p0 $0xFFFFF086;
	s6 =	sadd.s32 @!p0 s3, s7;
	s7 =	simm.s32 @!p0 $0x108  }
0x21: {  	s3 =	sadd.s32 s3, s9;
	s6 =	sadd.s32 @!p0 $0x88, s6;
	s7 =	simm.s32 @p2 $0x1082  }
0x22: {  	[simem:s7], [sflag:s8] =	dma.local @!p0 [hbm:s6], $0xF7A  }
0x23: {  	s9 =	sor.u32 $0xD0000000, s2;
	s6 =	simm.s32 $0x108;
	_ =	swait.ge @!p0 [sflag:s8], $0x0  }
0x24: {  	s3 =	sadd.s32 $0x88, s3;
	s6 =	simm.s32 @!p1 $0x1082;
	[sflag:s4] =	ssyncset.s32 $0xFFFFF086  }
0x25: {  	[simem:s6], [sflag:s4] =	dma.local [hbm:s3], $0xF7A  }
0x26: {  	[smem:$0x3F9A] =	sst s1;
	(tag) =	ssettag s2;
	_ =	strace s9  }
0x27: {  	s1 =	sld [smem:$0x3FAA]  }
0x28: {  	s2 =	sld [smem:$0x3FAB]  }
0x29: {  	s4 =	sld [smem:$0x3FAD]  }
0x2a: {  	p0 =	seq.s32 s5, $0x0;
	s5 =	sld [smem:$0x3FAE]  }
0x2b: {  	s6 =	sld [smem:$0x3FAF]  }
0x2c: {  	s7 =	sld [smem:$0x3FB0]  }
0x2d: {  	s3 =	simm.s32 $0x108;
	s8 =	sld [smem:$0x3FB1]  }
0x2e: {  	s3 =	simm.s32 @!p0 $0x1082;
	s9 =	sld [smem:$0x3FB2]  }
0x2f: {  	lr =	sadd.s32 s0, s3;
	s0 =	sld [smem:$0x3FA9]  }
0x30: {  	s3 =	sld [smem:$0x3FAC]  }
0x31: {  	[smem:$0x3FB5] =	sst s10  }
0x32: {  	s10 =	sld [smem:$0x3FB3];
	_ =	sdelay $0x3  }
0x33: {  	p0 =	seq.s32 s10, $0x1;
	s10 =	sld [smem:$0x3FB5];
	_ =	sdelay $0x3  }
0x34: {  	[smem:$0x3FB5] =	sst s10  }
0x35: {  	s10 =	sld [smem:$0x3FB4];
	_ =	sdelay $0x3  }
0x36: {  	p1 =	seq.s32 s10, $0x1;
	s10 =	sld [smem:$0x3FB5];
	_ =	sdelay $0x3  }
0x37: {  	[smem:$0x3FB5] =	sst s10  }
0x38: {  	s10 =	sld [smem:$0x3FB6]  }
0x39: {  	_ = 	snop;
	(pc) =	sbr.ind lr, $3  }
0x3a: {  	_ = 	snop  }
0x3b: {  	_ = 	snop  }
0x3c: {  	p2 =	seq.s32 s10, $0x1;
	s10 =	sld [smem:$0x3FB5]  }
0x3d: {  	_ =	shalt  }
0x3e: {  	_ =	shalt  }
0x3f: {  	_ =	shalt  }
0x40: {  	_ =	shalt  }
0x41: {  	_ =	shalt  }
0x42: {  	_ =	shalt  }
0x43: {  	_ =	shalt  }
0x44: {  	_ =	shalt  }
0x45: {  	_ =	shalt  }
0x46: {  	_ =	shalt  }
0x47: {  	_ =	shalt  }
0x48: {  	_ =	shalt  }
0x49: {  	_ =	shalt  }
0x4a: {  	_ =	shalt  }
0x4b: {  	_ =	shalt  }
0x4c: {  	_ =	shalt  }
0x4d: {  	_ =	shalt  }
0x4e: {  	_ =	shalt  }
0x4f: {  	_ =	shalt  }
0x50: {  	_ =	shalt  }
0x51: {  	_ =	shalt  }
0x52: {  	_ =	shalt  }
0x53: {  	_ =	shalt  }
0x54: {  	_ =	shalt  }
0x55: {  	_ =	shalt  }
0x56: {  	_ =	shalt  }
0x57: {  	_ =	shalt  }
0x58: {  	_ =	shalt  }
0x59: {  	_ =	shalt  }
0x5a: {  	_ =	shalt  }
0x5b: {  	_ =	shalt  }
0x5c: {  	_ =	shalt  }
0x5d: {  	_ =	shalt  }
0x5e: {  	_ =	shalt  }
0x5f: {  	_ =	shalt  }
0x60: {  	_ =	shalt  }
0x61: {  	_ =	shalt  }
0x62: {  	_ =	shalt  }
0x63: {  	_ =	shalt  }
0x64: {  	_ =	shalt  }
0x65: {  	_ =	shalt  }
0x66: {  	_ =	shalt  }
0x67: {  	_ =	shalt  }
0x68: {  	_ =	shalt  }
0x69: {  	_ =	shalt  }
0x6a: {  	_ =	shalt  }
0x6b: {  	_ =	shalt  }
0x6c: {  	_ =	shalt  }
0x6d: {  	_ =	shalt  }
0x6e: {  	_ =	shalt  }
0x6f: {  	_ =	shalt  }
0x70: {  	_ =	shalt  }
0x71: {  	_ =	shalt  }
0x72: {  	_ =	shalt  }
0x73: {  	_ =	shalt  }
0x74: {  	_ =	shalt  }
0x75: {  	_ =	shalt  }
0x76: {  	_ =	shalt  }
0x77: {  	_ =	shalt  }
0x78: {  	_ =	shalt  }
0x79: {  	_ =	shalt  }
0x7a: {  	_ =	shalt  }
0x7b: {  	_ =	shalt  }
0x7c: {  	_ =	shalt  }
0x7d: {  	_ =	shalt  }
0x7e: {  	_ =	shalt  }
0x7f: {  	_ =	shalt  }
0x80: {  	_ =	shalt  }
0x81: {  	_ =	shalt  }
0x82: {  	_ =	shalt  }
0x83: {  	_ =	shalt  }
0x84: {  	_ =	shalt  }
0x85: {  	_ =	shalt  }
0x86: {  	_ =	shalt  }
0x87: {  	_ =	shalt  }
.Lfunc_end0:
.L_simem_size_0:
called_computation_lowered:
.L_overlay_start_0:
0x88: {  	s2 =	sld [smem:$0x3FD9]  }
0x89: {  	s3 =	sld [smem:$0x3FFE];
	_ =	sdelay $0x1  }
0x8a: {  	s1 =	srdreg.scid  }
0x8b: {  	s0 =	sand.u32 $0x1, s1  }
0x8c: {  	s17 =	sshll.u32 s0, $0xA;
	s2 =	sadd.s32 s3, s2  }
0x8d: {  	s2 =	sadd.s32 s2, s17  }
0x8e: {  	[smem:$0x3FC1] =	sst s2  }
0x8f: {  	_ = 	snop  }
0x90: {  	s2 =	sld [smem:$0x3FC9]  }
0x91: {  	s18 =	sld [smem:$0x3FD0];
	(tm) =	ssettm $0x1  }
0x92: {  	s4 =	sld [smem:$0x3FFB];
	_ =	sdelay $0x3  }
0x93: {  	_ =	strace s4  }
0x94: {  	s4 =	sld [smem:$0x3FFC];
	_ =	sdelay $0x3  }
0x95: {  	_ =	strace s4  }
0x96: {  	s4 =	sld [smem:$0x3FFD];
	_ =	sdelay $0x3  }
0x97: {  	_ =	strace s4  }
0x98: {  	_ =	strace $0x8FFFFFFF  }
0x99: {  	s19 =	sld [smem:$0x3FDB];
	_ =	sdelay $0x1  }
0x9a: {  	s5 =	simm.s32 $_scs_section_size  }
0x9b: {  	s6 =	simm.s32 $_size__tile_overlayer_lowered;
	s7 =	simm.s32 $_tile_overlayer_lowered  }
0x9c: {  	s22 =	simm.s32 $0x1BFF;
	s21 =	sshll.u32 s7, $0x1;
	s4 =	sadd.s32 s5, s19  }
0x9d: {  	s8 =	simm.s32 $0x0;
	s20 =	sshll.u32 s6, $0x1;
	s6 =	sadd.s32 s21, s4  }
0x9e: {  	[timem:s8], [sflag:s22] =	dma.local [hbm:s6], s20  }
0x9f: {  	_ =	swait.ge [sflag:s22], s20  }
0xa0: {  	s5 =	ssub.s32 $0x0, s20;
	[sflag:s22] =	ssyncset.done $0x0  }
0xa1: {  	[sflag:s22] =	ssyncadd.s32 s5;
	_ =	sdelay $0x1  }
0xa2: {  	s23 =	simm.s32 $0x1B8B  }
0xa3: {  	_ =	swait.ge [sflag:s23], $0x1  }
0xa4: {  	[sflag:s23] =	ssyncset.done $0x0  }
0xa5: {  	s25 =	simm.s32 $0x1B8E;
	s24 =	sld [smem:$0x3FFE];
	[sflag:s23] =	ssyncadd.s32 $0xFFFFFFFF  }
0xa6: {  	s26 =	simm.s32 $execute0_lowered;
	[smem:$0x3FD2] =	sst s25  }
0xa7: {  	s6 =	sshll.u32 s26, $0x1;
	_ =	strace $0x80000046;
	[dreg:$0x1] =	wrdreg $0xFFFFFFFF  }
0xa8: {  	s28 =	simm.s32 $_size_execute0_lowered;
	s4 =	sadd.s32 s4, s6;
	[dreg:$0x0] =	wrdreg $0x0  }
0xa9: {  	s6 =	sshll.u32 s28, $0x1;
	[dreg:$0x2] =	wrdreg s4  }
0xaa: {  	[dreg:$0x3] =	wrdreg s6  }
0xab: {  	[dreg:$0x4] =	wrdreg $0xC0  }
0xac: {  	_ =	task [dreg:s8], $0x5FFFF  }
0xad: {  	[dreg:$0x1] =	wrdreg $0xFFFFFFFF  }
0xae: {  	[dreg:$0x0] =	wrdreg $0x60  }
0xaf: {  	[dreg:$0x2] =	wrdreg s2  }
0xb0: {  	[dreg:$0x3] =	wrdreg s18  }
0xb1: {  	[dreg:$0x4] =	wrdreg s24  }
0xb2: {  	[dreg:$0x5] =	wrdreg $0x9  }
0xb3: {  	_ =	task.clear_ibuf [dreg:s8], $0x6FFFF;
	_ =	strace $0x90000046  }
0xb4: {  	s29 =	simm.s32 $0x9;
	_ =	strace $0x80000048  }
0xb5: {  	_ =	swait.ge [sflag:s29], $0x1  }
0xb6: {  	[sflag:s29] =	ssyncadd.s32 $0xFFFFFFFF  }
0xb7: {  	_ =	strace $0x90000048  }
0xb8: {  	_ =	sfence  }
0xb9: {  	s30 =	sld [smem:$0x0];
	_ =	sdelay $0x2  }
0xba: {  	s31 =	sshll.u32 s1, $0xD;
	s1 =	sshrl.u32 s1, $0x2  }
0xbb: {  	s3 =	sand.u32 $0x4000, s31;
	s1 =	sadd.s32 s1, s30  }
0xbc: {  	s0 =	sor.u32 s3, s0;
	s1 =	sshll.u32 s1, $0x11  }
0xbd: {  	s0 =	sor.u32 s1, s0  }
0xbe: {  	s0 =	sadd.s32 $0x8F2B, s0  }
0xbf: {  	[sflag:s0] =	ssyncadd.remote.s32 $0x1  }
0xc0: {  	_ =	sfence.sel $0xFFFF  }
0xc1: {  	[dreg:$0x0] =	wrdreg $0xFFFFFFFF;
	(pc) =	sbr.abs _section_cstart, $3  }
0xc2: {  	[dreg:$0x1] =	wrdreg $0xFFFFFFFF  }
0xc3: {  	_ =	task.clear_ibuf [dreg:s8], $0x2FFFF;
	_ =	strace $0x9FFFFFFF  }
0xc4: {  	(tm) =	ssettm $0x7FFFFFFF  }
0xc5: {  	_ =	shalt  }
tec
execute0_lowered:
.L_overlay_start_1:
0x0: {  	(tag) =	ssettag $0x1  }
0x1: {  	s3 =	rddreg [dreg:$0x0]  }
0x2: {  	s1 =	srdreg.scid;
	s6 =	rddreg [dreg:$0x1]  }
0x3: {  	s0 =	stileid.u32;
	s8 =	rddreg [dreg:$0x2];
	s30 =	simm.s32 $0x880  }
0x4: {  	s11 =	simm.s32 $0x1080;
	s31 =	simm.s32 $0x2480;
	s5 =	sand.u32 $0x1, s1  }
0x5: {  	s12 =	simm.s32 $0x2C80;
	s20 =	sshll.u32 s0, $0x7;
	s2 =	sshll.u32 s5, $0x6  }
0x6: {  	s1 =	rddreg [dreg:$0x3];
	s7 =	sor.u32 s2, s20;
	s2 =	simm.s32 $0x0  }
0x7: {  	s13 =	simm.s32 $0x4080;
	s14 =	simm.s32 $0x4880;
	[smem:$0x7FF] =	sst s2  }
0x8: {  	s15 =	simm.s32 $0x5C80;
	_ =	strace $0x80000047;
	[dreg:$0xc] =	wrdreg s30  }
0x9: {  	s16 =	simm.s32 $0x6480;
	s17 =	simm.s32 $0x7880;
	[dreg:$0xd] =	wrdreg s11  }
0xa: {  	s18 =	simm.s32 $0x8080;
	s19 =	simm.s32 $0x9480;
	[dreg:$0xe] =	wrdreg s31  }
0xb: {  	s28 =	simm.s32 $0x1;
	s5 =	ssub.s32 $0x2, s5;
	[dreg:$0xf] =	wrdreg s12  }
0xc: {  	s22 =	sshrl.u32 s5, $0x1;
	s20 =	simm.s32 $0x9C80;
	[dreg:$0x10] =	wrdreg s13  }
0xd: {  	s4 =	sshrl.u32 s7, $0x3;
	s7 =	sshll.u32 s7, $0x4;
	[dreg:$0x11] =	wrdreg s14  }
0xe: {  	s9 =	smul.u32 $0x300, s4;
	s4 =	sadd.s32 s4, s8;
	[dreg:$0x12] =	wrdreg s15  }
0xf: {  	s11 =	simm.s32 $0x80;
	s12 =	simm.s32 $0x1C80;
	[dreg:$0x13] =	wrdreg s16  }
0x10: {  	s13 =	simm.s32 $0x3880;
	s14 =	simm.s32 $0x5480;
	[dreg:$0x14] =	wrdreg s17  }
0x11: {  	s15 =	simm.s32 $0x7080;
	s16 =	simm.s32 $0x8C80;
	[dreg:$0x15] =	wrdreg s18  }
0x12: {  	s17 =	simm.s32 $0xA880;
	s18 =	simm.s32 $0xC480;
	[dreg:$0x16] =	wrdreg s19  }
0x13: {  	[dreg:$0x17] =	wrdreg s20;
	s10 =	sadd.s32 $0xC00, s4;
	s3 =	sadd.s32 s3, s9  }
0x14: {  	[dreg:$0x4] =	wrdreg s10;
	s10 =	ssub.s32 s5, s22;
	s22 =	simm.s32 $0xB880  }
0x15: {  	s19 =	simm.s32 $0x1880;
	s9 =	sadd.s32 $0x300, s3;
	[dreg:$0x19] =	wrdreg s22  }
0x16: {  	s20 =	simm.s32 $0x3480;
	s21 =	sadd.s32 $0x600, s3;
	[dreg:$0x5] =	wrdreg s9  }
0x17: {  	s4 =	sadd.s32 $0xE00, s8;
	s23 =	sadd.s32 $0x900, s3;
	[dreg:$0x6] =	wrdreg s21  }
0x18: {  	s5 =	sadd.s32 s6, s7;
	s24 =	sadd.s32 $0xC00, s3;
	[dreg:$0x7] =	wrdreg s23  }
0x19: {  	s6 =	sadd.s32 $0xF00, s8;
	s25 =	sadd.s32 $0xF00, s3;
	[dreg:$0x8] =	wrdreg s24  }
0x1a: {  	s7 =	sadd.s32 $0x1000, s8;
	s26 =	sadd.s32 $0x1200, s3;
	[dreg:$0x9] =	wrdreg s25  }
0x1b: {  	s8 =	sadd.s32 $0x1100, s8;
	s29 =	sadd.s32 $0x1500, s3;
	[dreg:$0xa] =	wrdreg s26  }
0x1c: {  	s22 =	simm.s32 $0x6C80;
	[dreg:$0xb] =	wrdreg s29;
	s9 =	smax.u32 s10, $0x1  }
0x1d: {  	s10 =	simm.s32 $0x2;
	s21 =	simm.s32 $0xB080;
	s23 =	simm.s32 $0xCC80  }
0x1e: {  	v2 =	vlaneseq.u32;
	s25 =	simm.s32 $0xD480;
	s24 =	simm.s32 $0xA480;
	[dreg:$0x18] =	wrdreg s21  }
0x1f: {  	vm0 =	vmmov $0xffff;
	vm1 =	vmmov $0xff;
	v1 =	vshrl.u32 v2, $0x3;
	s26 =	simm.s32 $0xDC80;
	s21 =	simm.s32 $0x5080;
	[dreg:$0x1a] =	wrdreg s23  }
0x20: {  	v0 =	vand.u32 $0x7, v2;
	v2 =	vor.u32 $0x8, v2;
	v1 =	vmul.u32 $0x8, v1;
	s23 =	simm.s32 $0x8880;
	[dreg:$0x1b] =	wrdreg s25;
	s25 =	simm.s32 $0xC080  }
.LBB2_1:
0x21: {  	s29 =	rddreg [dreg:$0x4]  }
0x22: {  	[tilespmem:s2], [sflag:$0x2] =	stream.linear.gather [hbm4b:s29+s2], $0x40, $0x38;
	[tilespmem:$0xE080] =	vst v63  }
0x23: {  	_ =	swait.ge [sflag:s10], $0x40  }
0x24: {  	[sflag:s10] =	ssyncset.done $0x0  }
0x25: {  	[sflag:s10] =	ssyncadd.s32 $0xFFFFFFC0  }
0x26: {  	[tilespmem:s11], [sflag:$0x2] =	stream.linear.gather [hbm4b:s3+s2], $0x1800, $0x38;
	[tilespmem:$0xE080] =	vst v63  }
0x27: {  	s31 =	rddreg [dreg:$0x5]  }
0x28: {  	[tilespmem:s12], [sflag:$0x2] =	stream.linear.gather [hbm4b:s31+s2], $0x1800, $0x38;
	[tilespmem:$0xE080] =	vst v63  }
0x29: {  	s30 =	rddreg [dreg:$0x6]  }
0x2a: {  	[tilespmem:s13], [sflag:$0x2] =	stream.linear.gather [hbm4b:s30+s2], $0x1800, $0x38;
	[tilespmem:$0xE080] =	vst v63  }
0x2b: {  	s31 =	rddreg [dreg:$0x7]  }
0x2c: {  	[tilespmem:s14], [sflag:$0x2] =	stream.linear.gather [hbm4b:s31+s2], $0x1800, $0x38;
	[tilespmem:$0xE080] =	vst v63  }
0x2d: {  	s30 =	rddreg [dreg:$0x8]  }
0x2e: {  	[tilespmem:s15], [sflag:$0x2] =	stream.linear.gather [hbm4b:s30+s2], $0x1800, $0x38;
	[tilespmem:$0xE080] =	vst v63  }
0x2f: {  	s31 =	rddreg [dreg:$0x9]  }
0x30: {  	[tilespmem:s16], [sflag:$0x2] =	stream.linear.gather [hbm4b:s31+s2], $0x1800, $0x38;
	[tilespmem:$0xE080] =	vst v63  }
0x31: {  	s30 =	rddreg [dreg:$0xa]  }
0x32: {  	[tilespmem:s17], [sflag:$0x2] =	stream.linear.gather [hbm4b:s30+s2], $0x1800, $0x38;
	[tilespmem:$0xE080] =	vst v63  }
0x33: {  	s31 =	rddreg [dreg:$0xb]  }
0x34: {  	[tilespmem:s18], [sflag:$0x2] =	stream.linear.gather [hbm4b:s31+s2], $0x1800, $0x38;
	[tilespmem:$0xE080] =	vst v63  }
0x35: {  	_ =	swait.ge [sflag:s10], $0xC000  }
0x36: {  	[sflag:s10] =	ssyncset.done $0x0  }
0x37: {  	[sflag:s10] =	ssyncadd.s32 $0xFFFF4000  }
0x38: {  	[tilespmem:s19], [sflag:$0x2] =	stream.linear.gather [hbm4b:s5+s2], $0x400, $0x38;
	[tilespmem:$0xE080] =	vst v63  }
0x39: {  	s30 =	sadd.s32 $0x80, s5  }
0x3a: {  	[tilespmem:s20], [sflag:$0x2] =	stream.linear.gather [hbm4b:s30+s2], $0x400, $0x38;
	[tilespmem:$0xE080] =	vst v63  }
0x3b: {  	s31 =	sadd.s32 $0x100, s5  }
0x3c: {  	[tilespmem:s21], [sflag:$0x2] =	stream.linear.gather [hbm4b:s31+s2], $0x400, $0x38;
	[tilespmem:$0xE080] =	vst v63  }
0x3d: {  	s30 =	sadd.s32 $0x180, s5  }
0x3e: {  	[tilespmem:s22], [sflag:$0x2] =	stream.linear.gather [hbm4b:s30+s2], $0x400, $0x38;
	[tilespmem:$0xE080] =	vst v63  }
0x3f: {  	s31 =	sadd.s32 $0x200, s5  }
0x40: {  	[tilespmem:s23], [sflag:$0x2] =	stream.linear.gather [hbm4b:s31+s2], $0x400, $0x38;
	[tilespmem:$0xE080] =	vst v63  }
0x41: {  	s30 =	sadd.s32 $0x280, s5  }
0x42: {  	[tilespmem:s24], [sflag:$0x2] =	stream.linear.gather [hbm4b:s30+s2], $0x400, $0x38;
	[tilespmem:$0xE080] =	vst v63  }
0x43: {  	s31 =	sadd.s32 $0x300, s5  }
0x44: {  	[tilespmem:s25], [sflag:$0x2] =	stream.linear.gather [hbm4b:s31+s2], $0x400, $0x38;
	[tilespmem:$0xE080] =	vst v63  }
0x45: {  	s30 =	sadd.s32 $0x380, s5  }
0x46: {  	[tilespmem:s26], [sflag:$0x2] =	stream.linear.gather [hbm4b:s30+s2], $0x400, $0x38;
	[tilespmem:$0xE080] =	vst v63  }
0x47: {  	_ =	swait.ge [sflag:s10], $0x2000  }
0x48: {  	[sflag:s10] =	ssyncset.done $0x0  }
0x49: {  	[sflag:s10] =	ssyncadd.s32 $0xFFFFE000  }
0x4a: {  	v3 =	vld [tilespmem:$0x0];
	_ =	sdelay $0x4  }
0x4b: {  	v4 =	vshrl.u32 v3, $0x3  }
0x4c: {  	v4 =	vmul.u32 $0x38, v4  }
0x4d: {  	v3 =	vand.u32 $0x7, v3  }
0x4e: {  	v3 =	vor.u32 v3, v4  }
0x4f: {  	v4 =	vperm.xlane v3, v0;
	_ =	sdelay $0x1  }
0x50: {  	v4 =	vadd.s32 v1, v4;
	_ =	sdelay $0x4  }
0x51: {  	[hbm4b:s4+s2] =	stream.indirect_vreg.scatter [tilespmem:s11], [sflag:$0x1], $0x80, v4, vm0, $0xb8;
	[tilespmem:$0xE080] =	vst v63  }
0x52: {  	s29 =	rddreg [dreg:$0xc];
	v3 =	vperm.xlane v3, v2  }
0x53: {  	[hbm4b:s6+s2] =	stream.indirect_vreg.scatter [tilespmem:s29], [sflag:$0x1], $0x80, v4, vm0, $0xb8;
	[tilespmem:$0xE080] =	vst v63  }
0x54: {  	s31 =	rddreg [dreg:$0xd];
	v3 =	vadd.s32 v1, v3  }
0x55: {  	[hbm4b:s7+s2] =	stream.indirect_vreg.scatter [tilespmem:s31], [sflag:$0x1], $0x80, v4, vm0, $0xb8;
	[tilespmem:$0xE080] =	vst v63  }
0x56: {  	_ = 	snop  }
0x57: {  	[hbm4b:s8+s2] =	stream.indirect_vreg.scatter [tilespmem:s19], [sflag:$0x1], $0x80, v4, vm1, $0xb8;
	[tilespmem:$0xE080] =	vst v63  }
0x58: {  	_ = 	snop  }
0x59: {  	[hbm4b:s4+s2] =	stream.indirect_vreg.scatter [tilespmem:s12], [sflag:$0x1], $0x80, v3, vm0, $0xb8;
	[tilespmem:$0xE080] =	vst v63  }
0x5a: {  	s29 =	rddreg [dreg:$0xe]  }
0x5b: {  	[hbm4b:s6+s2] =	stream.indirect_vreg.scatter [tilespmem:s29], [sflag:$0x1], $0x80, v3, vm0, $0xb8;
	[tilespmem:$0xE080] =	vst v63  }
0x5c: {  	s31 =	rddreg [dreg:$0xf]  }
0x5d: {  	[hbm4b:s7+s2] =	stream.indirect_vreg.scatter [tilespmem:s31], [sflag:$0x1], $0x80, v3, vm0, $0xb8;
	[tilespmem:$0xE080] =	vst v63  }
0x5e: {  	_ = 	snop  }
0x5f: {  	[hbm4b:s8+s2] =	stream.indirect_vreg.scatter [tilespmem:s20], [sflag:$0x1], $0x80, v3, vm1, $0xb8;
	[tilespmem:$0xE080] =	vst v63  }
0x60: {  	v3 =	vld [tilespmem:$0x10];
	_ =	sdelay $0x4  }
0x61: {  	v61 =	vshrl.u32 v3, $0x3  }
0x62: {  	v4 =	vmul.u32 $0x38, v61  }
0x63: {  	v3 =	vand.u32 $0x7, v3  }
0x64: {  	v3 =	vor.u32 v3, v4  }
0x65: {  	v4 =	vperm.xlane v3, v0;
	_ =	sdelay $0x1  }
0x66: {  	v4 =	vadd.s32 v1, v4;
	_ =	sdelay $0x4  }
0x67: {  	[hbm4b:s4+s2] =	stream.indirect_vreg.scatter [tilespmem:s13], [sflag:$0x1], $0x80, v4, vm0, $0xb8;
	[tilespmem:$0xE080] =	vst v63  }
0x68: {  	s29 =	rddreg [dreg:$0x10];
	v3 =	vperm.xlane v3, v2  }
0x69: {  	[hbm4b:s6+s2] =	stream.indirect_vreg.scatter [tilespmem:s29], [sflag:$0x1], $0x80, v4, vm0, $0xb8;
	[tilespmem:$0xE080] =	vst v63  }
0x6a: {  	s31 =	rddreg [dreg:$0x11];
	v3 =	vadd.s32 v1, v3  }
0x6b: {  	[hbm4b:s7+s2] =	stream.indirect_vreg.scatter [tilespmem:s31], [sflag:$0x1], $0x80, v4, vm0, $0xb8;
	[tilespmem:$0xE080] =	vst v63  }
0x6c: {  	_ = 	snop  }
0x6d: {  	[hbm4b:s8+s2] =	stream.indirect_vreg.scatter [tilespmem:s21], [sflag:$0x1], $0x80, v4, vm1, $0xb8;
	[tilespmem:$0xE080] =	vst v63  }
0x6e: {  	_ = 	snop  }
0x6f: {  	[hbm4b:s4+s2] =	stream.indirect_vreg.scatter [tilespmem:s14], [sflag:$0x1], $0x80, v3, vm0, $0xb8;
	[tilespmem:$0xE080] =	vst v63  }
0x70: {  	s29 =	rddreg [dreg:$0x12]  }
0x71: {  	[hbm4b:s6+s2] =	stream.indirect_vreg.scatter [tilespmem:s29], [sflag:$0x1], $0x80, v3, vm0, $0xb8;
	[tilespmem:$0xE080] =	vst v63  }
0x72: {  	s31 =	rddreg [dreg:$0x13]  }
0x73: {  	[hbm4b:s7+s2] =	stream.indirect_vreg.scatter [tilespmem:s31], [sflag:$0x1], $0x80, v3, vm0, $0xb8;
	[tilespmem:$0xE080] =	vst v63  }
0x74: {  	_ = 	snop  }
0x75: {  	[hbm4b:s8+s2] =	stream.indirect_vreg.scatter [tilespmem:s22], [sflag:$0x1], $0x80, v3, vm1, $0xb8;
	[tilespmem:$0xE080] =	vst v63  }
0x76: {  	v3 =	vld [tilespmem:$0x20];
	_ =	sdelay $0x4  }
0x77: {  	v62 =	vshrl.u32 v3, $0x3  }
0x78: {  	v4 =	vmul.u32 $0x38, v62  }
0x79: {  	v3 =	vand.u32 $0x7, v3  }
0x7a: {  	v3 =	vor.u32 v3, v4  }
0x7b: {  	v4 =	vperm.xlane v3, v0;
	_ =	sdelay $0x1  }
0x7c: {  	v4 =	vadd.s32 v1, v4;
	_ =	sdelay $0x4  }
0x7d: {  	[hbm4b:s4+s2] =	stream.indirect_vreg.scatter [tilespmem:s15], [sflag:$0x1], $0x80, v4, vm0, $0xb8;
	[tilespmem:$0xE080] =	vst v63  }
0x7e: {  	s29 =	rddreg [dreg:$0x14];
	v3 =	vperm.xlane v3, v2  }
0x7f: {  	[hbm4b:s6+s2] =	stream.indirect_vreg.scatter [tilespmem:s29], [sflag:$0x1], $0x80, v4, vm0, $0xb8;
	[tilespmem:$0xE080] =	vst v63  }
0x80: {  	s31 =	rddreg [dreg:$0x15];
	v3 =	vadd.s32 v1, v3  }
0x81: {  	[hbm4b:s7+s2] =	stream.indirect_vreg.scatter [tilespmem:s31], [sflag:$0x1], $0x80, v4, vm0, $0xb8;
	[tilespmem:$0xE080] =	vst v63  }
0x82: {  	_ = 	snop  }
0x83: {  	[hbm4b:s8+s2] =	stream.indirect_vreg.scatter [tilespmem:s23], [sflag:$0x1], $0x80, v4, vm1, $0xb8;
	[tilespmem:$0xE080] =	vst v63  }
0x84: {  	_ = 	snop  }
0x85: {  	[hbm4b:s4+s2] =	stream.indirect_vreg.scatter [tilespmem:s16], [sflag:$0x1], $0x80, v3, vm0, $0xb8;
	[tilespmem:$0xE080] =	vst v63  }
0x86: {  	s29 =	rddreg [dreg:$0x16]  }
0x87: {  	[hbm4b:s6+s2] =	stream.indirect_vreg.scatter [tilespmem:s29], [sflag:$0x1], $0x80, v3, vm0, $0xb8;
	[tilespmem:$0xE080] =	vst v63  }
0x88: {  	s31 =	rddreg [dreg:$0x17]  }
0x89: {  	[hbm4b:s7+s2] =	stream.indirect_vreg.scatter [tilespmem:s31], [sflag:$0x1], $0x80, v3, vm0, $0xb8;
	[tilespmem:$0xE080] =	vst v63  }
0x8a: {  	_ = 	snop  }
0x8b: {  	[hbm4b:s8+s2] =	stream.indirect_vreg.scatter [tilespmem:s24], [sflag:$0x1], $0x80, v3, vm1, $0xb8;
	[tilespmem:$0xE080] =	vst v63  }
0x8c: {  	v3 =	vld [tilespmem:$0x30];
	_ =	sdelay $0x4  }
0x8d: {  	v63 =	vshrl.u32 v3, $0x3  }
0x8e: {  	v4 =	vmul.u32 $0x38, v63  }
0x8f: {  	v3 =	vand.u32 $0x7, v3  }
0x90: {  	v3 =	vor.u32 v3, v4  }
0x91: {  	v4 =	vperm.xlane v3, v0;
	_ =	sdelay $0x1  }
0x92: {  	v4 =	vadd.s32 v1, v4;
	_ =	sdelay $0x4  }
0x93: {  	[hbm4b:s4+s2] =	stream.indirect_vreg.scatter [tilespmem:s17], [sflag:$0x1], $0x80, v4, vm0, $0xb8;
	[tilespmem:$0xE080] =	vst v63  }
0x94: {  	s29 =	rddreg [dreg:$0x18];
	v3 =	vperm.xlane v3, v2  }
0x95: {  	[hbm4b:s6+s2] =	stream.indirect_vreg.scatter [tilespmem:s29], [sflag:$0x1], $0x80, v4, vm0, $0xb8;
	[tilespmem:$0xE080] =	vst v63  }
0x96: {  	s31 =	rddreg [dreg:$0x19];
	v3 =	vadd.s32 v1, v3  }
0x97: {  	[hbm4b:s7+s2] =	stream.indirect_vreg.scatter [tilespmem:s31], [sflag:$0x1], $0x80, v4, vm0, $0xb8;
	[tilespmem:$0xE080] =	vst v63  }
0x98: {  	_ = 	snop  }
0x99: {  	[hbm4b:s8+s2] =	stream.indirect_vreg.scatter [tilespmem:s25], [sflag:$0x1], $0x80, v4, vm1, $0xb8;
	[tilespmem:$0xE080] =	vst v63  }
0x9a: {  	_ = 	snop  }
0x9b: {  	[hbm4b:s4+s2] =	stream.indirect_vreg.scatter [tilespmem:s18], [sflag:$0x1], $0x80, v3, vm0, $0xb8;
	[tilespmem:$0xE080] =	vst v63  }
0x9c: {  	s29 =	rddreg [dreg:$0x1a]  }
0x9d: {  	[hbm4b:s6+s2] =	stream.indirect_vreg.scatter [tilespmem:s29], [sflag:$0x1], $0x80, v3, vm0, $0xb8;
	[tilespmem:$0xE080] =	vst v63  }
0x9e: {  	p0 =	sne.s32 s9, $0x1;
	s31 =	rddreg [dreg:$0x1b]  }
0x9f: {  	[hbm4b:s7+s2] =	stream.indirect_vreg.scatter [tilespmem:s31], [sflag:$0x1], $0x80, v3, vm0, $0xb8;
	[tilespmem:$0xE080] =	vst v63  }
.Ltmp0:
0xa0: {  	_ = 	snop;
	(pc) =	sbr.rel @p0 .LBB2_1-.Ltmp0, $4  }
0xa1: {  	[hbm4b:s8+s2] =	stream.indirect_vreg.scatter [tilespmem:s26], [sflag:$0x1], $0x80, v3, vm1, $0xb8;
	[tilespmem:$0xE080] =	vst v63  }
0xa2: {  	_ =	swait.ge [sflag:s28], $0xE000  }
0xa3: {  	[sflag:s28] =	ssyncset.done $0x0  }
0xa4: {  	s9 =	sadd.s32 $0xFFFFFFFF, s9;
	[sflag:s28] =	ssyncadd.s32 $0xFFFF2000  }
0xa5: {  	_ =	sfence.sel $0x180000  }
0xa6: {  	[bflag:$0x0] =	sbarrier.arrive $0xFFFF  }
0xa7: {  	p0 =	sne.s32 s0, $0x0;
	_ =	strace $0x90000047  }
0xa8: {  	s0 =	sadd.s32 @!p0 $0x100000, s1;
	[bflag:$0x2] =	sbarrier.arrive $0xFFFF  }
0xa9: {  	[sflag:s0] =	ssyncadd.tile.s32 @!p0 $0x1;
	_ =	shalt  }
.Lfunc_end2:
_tile_overlayer_lowered:
.L_overlay_start_2:
0xaa: {  	(tag) =	ssettag $0x2  }
0xab: {  	s0 =	rddreg [dreg:$0x0];
	s2 =	stileid.u32  }
0xac: {  	s1 =	rddreg [dreg:$0x1];
	p0 =	sne.s32 s2, $0x0  }
0xad: {  	s3 =	rddreg [dreg:$0x2];
	[bflag:$0x3] =	sbarrier.arrive $0xFFFF;
	s2 =	simm.s32 @!p0 $0x1C02  }
0xae: {  	[timem:s3], [sflag:s2] =	dma.local @!p0 [hbm:s0], s1  }
0xaf: {  	s0 =	simm.s32 @!p0 $0x2  }
0xb0: {  	_ =	swait.ge @!p0 [sflag:s0], s1  }
0xb1: {  	s1 =	ssub.s32 @!p0 $0x0, s1;
	[sflag:s0] =	ssyncset.done @!p0 $0x0  }
0xb2: {  	[sflag:s0] =	ssyncadd.s32 @!p0 s1  }
0xb3: {  	[bflag:$0x3] =	sbarrier.arrive $0xFFFF  }
0xb4: {  	_ =	shalt  }

// kernel: kernel.9.cloned.1.call-start
scs
__scs_entry_jumppad:
0x0: {  	(pc) =	sbr.rel $0x88, $3  }
0x1: {  	(tag) =	ssettag $0x0;
	lr =	simm.s32 $0x1  }
0x2: {  	[smem:$0x3F9A] =	sst lr;
	_ =	strace $0xD0000000  }
0x3: {  	_ = 	snop  }
0x4: {  	_ = 	snop  }
0x5: {  	_ = 	snop  }
0x6: {  	_ = 	snop  }
0x7: {  	_ = 	snop  }
__scs_overlays_trampoline_lowered:
0x8: {  	[smem:$0x3FA9] =	sst s0  }
0x9: {  	[smem:$0x3FAA] =	sst s1  }
0xa: {  	[smem:$0x3FAB] =	sst s2  }
0xb: {  	[smem:$0x3FAC] =	sst s3  }
0xc: {  	[smem:$0x3FAD] =	sst s4  }
0xd: {  	[smem:$0x3FAE] =	sst s5  }
0xe: {  	[smem:$0x3FAF] =	sst s6  }
0xf: {  	[smem:$0x3FB0] =	sst s7  }
0x10: {  	[smem:$0x3FB1] =	sst s8  }
0x11: {  	[smem:$0x3FB2] =	sst s9;
	s0 =	simm.s32 @!p0 $0x0  }
0x12: {  	s1 =	sld [smem:$0x3F98];
	s0 =	simm.s32 @p0 $0x1  }
0x13: {  	[smem:$0x3FB3] =	sst s0;
	s0 =	simm.s32 @!p1 $0x0  }
0x14: {  	s2 =	sld [smem:$0x3F97];
	s0 =	simm.s32 @p1 $0x1  }
0x15: {  	[smem:$0x3FB4] =	sst s0;
	s0 =	simm.s32 @!p2 $0x0  }
0x16: {  	s3 =	sld [smem:$0x3FDB];
	s0 =	simm.s32 @p2 $0x1  }
0x17: {  	s4 =	simm.s32 $0x1BF5;
	[smem:$0x3FB6] =	sst s0  }
0x18: {  	s0 =	sld [smem:$0x3F99];
	_ =	swait.ge [sflag:s4], $0x0  }
0x19: {  	s7 =	sld [smem:$0x3F9A]  }
0x1a: {  	s8 =	sadd.s32 $0xFFFFE003, lr  }
0x1b: {  	s9 =	sadd.s32 $0xFFFFFEF7, lr;
	s5 =	simm.s32 $0xFFFFFFFF;
	p2 =	slt.u32 s8, $0xFFFFF086  }
0x1c: {  	p1 =	slt.u32 s9, $0xF7A;
	s5 =	simm.s32 @!p2 $0x0  }
0x1d: {  	s5 =	simm.s32 @p1 $0x1;
	p0 =	seq.s32 s7, s2  }
0x1e: {  	s7 =	smul.u32 @!p0 $0xF7A, s2;
	p2 =	seq.s32 @!p0 s5, $0x0  }
0x1f: {  	s9 =	smul.u32 $0xF7A, s1;
	s8 =	simm.s32 @!p0 $0x1BF5;
	p2 =	por !p2, p0  }
0x20: {  	[sflag:s8] =	ssyncset.s32 @!p0 $0xFFFFF086;
	s6 =	sadd.s32 @!p0 s3, s7;
	s7 =	simm.s32 @!p0 $0x108  }
0x21: {  	s3 =	sadd.s32 s3, s9;
	s6 =	sadd.s32 @!p0 $0x88, s6;
	s7 =	simm.s32 @p2 $0x1082  }
0x22: {  	[simem:s7], [sflag:s8] =	dma.local @!p0 [hbm:s6], $0xF7A  }
0x23: {  	s9 =	sor.u32 $0xD0000000, s2;
	s6 =	simm.s32 $0x108;
	_ =	swait.ge @!p0 [sflag:s8], $0x0  }
0x24: {  	s3 =	sadd.s32 $0x88, s3;
	s6 =	simm.s32 @!p1 $0x1082;
	[sflag:s4] =	ssyncset.s32 $0xFFFFF086  }
0x25: {  	[simem:s6], [sflag:s4] =	dma.local [hbm:s3], $0xF7A  }
0x26: {  	[smem:$0x3F9A] =	sst s1;
	(tag) =	ssettag s2;
	_ =	strace s9  }
0x27: {  	s1 =	sld [smem:$0x3FAA]  }
0x28: {  	s2 =	sld [smem:$0x3FAB]  }
0x29: {  	s4 =	sld [smem:$0x3FAD]  }
0x2a: {  	p0 =	seq.s32 s5, $0x0;
	s5 =	sld [smem:$0x3FAE]  }
0x2b: {  	s6 =	sld [smem:$0x3FAF]  }
0x2c: {  	s7 =	sld [smem:$0x3FB0]  }
0x2d: {  	s3 =	simm.s32 $0x108;
	s8 =	sld [smem:$0x3FB1]  }
0x2e: {  	s3 =	simm.s32 @!p0 $0x1082;
	s9 =	sld [smem:$0x3FB2]  }
0x2f: {  	lr =	sadd.s32 s0, s3;
	s0 =	sld [smem:$0x3FA9]  }
0x30: {  	s3 =	sld [smem:$0x3FAC]  }
0x31: {  	[smem:$0x3FB5] =	sst s10  }
0x32: {  	s10 =	sld [smem:$0x3FB3];
	_ =	sdelay $0x3  }
0x33: {  	p0 =	seq.s32 s10, $0x1;
	s10 =	sld [smem:$0x3FB5];
	_ =	sdelay $0x3  }
0x34: {  	[smem:$0x3FB5] =	sst s10  }
0x35: {  	s10 =	sld [smem:$0x3FB4];
	_ =	sdelay $0x3  }
0x36: {  	p1 =	seq.s32 s10, $0x1;
	s10 =	sld [smem:$0x3FB5];
	_ =	sdelay $0x3  }
0x37: {  	[smem:$0x3FB5] =	sst s10  }
0x38: {  	s10 =	sld [smem:$0x3FB6]  }
0x39: {  	_ = 	snop;
	(pc) =	sbr.ind lr, $3  }
0x3a: {  	_ = 	snop  }
0x3b: {  	_ = 	snop  }
0x3c: {  	p2 =	seq.s32 s10, $0x1;
	s10 =	sld [smem:$0x3FB5]  }
0x3d: {  	_ =	shalt  }
0x3e: {  	_ =	shalt  }
0x3f: {  	_ =	shalt  }
0x40: {  	_ =	shalt  }
0x41: {  	_ =	shalt  }
0x42: {  	_ =	shalt  }
0x43: {  	_ =	shalt  }
0x44: {  	_ =	shalt  }
0x45: {  	_ =	shalt  }
0x46: {  	_ =	shalt  }
0x47: {  	_ =	shalt  }
0x48: {  	_ =	shalt  }
0x49: {  	_ =	shalt  }
0x4a: {  	_ =	shalt  }
0x4b: {  	_ =	shalt  }
0x4c: {  	_ =	shalt  }
0x4d: {  	_ =	shalt  }
0x4e: {  	_ =	shalt  }
0x4f: {  	_ =	shalt  }
0x50: {  	_ =	shalt  }
0x51: {  	_ =	shalt  }
0x52: {  	_ =	shalt  }
0x53: {  	_ =	shalt  }
0x54: {  	_ =	shalt  }
0x55: {  	_ =	shalt  }
0x56: {  	_ =	shalt  }
0x57: {  	_ =	shalt  }
0x58: {  	_ =	shalt  }
0x59: {  	_ =	shalt  }
0x5a: {  	_ =	shalt  }
0x5b: {  	_ =	shalt  }
0x5c: {  	_ =	shalt  }
0x5d: {  	_ =	shalt  }
0x5e: {  	_ =	shalt  }
0x5f: {  	_ =	shalt  }
0x60: {  	_ =	shalt  }
0x61: {  	_ =	shalt  }
0x62: {  	_ =	shalt  }
0x63: {  	_ =	shalt  }
0x64: {  	_ =	shalt  }
0x65: {  	_ =	shalt  }
0x66: {  	_ =	shalt  }
0x67: {  	_ =	shalt  }
0x68: {  	_ =	shalt  }
0x69: {  	_ =	shalt  }
0x6a: {  	_ =	shalt  }
0x6b: {  	_ =	shalt  }
0x6c: {  	_ =	shalt  }
0x6d: {  	_ =	shalt  }
0x6e: {  	_ =	shalt  }
0x6f: {  	_ =	shalt  }
0x70: {  	_ =	shalt  }
0x71: {  	_ =	shalt  }
0x72: {  	_ =	shalt  }
0x73: {  	_ =	shalt  }
0x74: {  	_ =	shalt  }
0x75: {  	_ =	shalt  }
0x76: {  	_ =	shalt  }
0x77: {  	_ =	shalt  }
0x78: {  	_ =	shalt  }
0x79: {  	_ =	shalt  }
0x7a: {  	_ =	shalt  }
0x7b: {  	_ =	shalt  }
0x7c: {  	_ =	shalt  }
0x7d: {  	_ =	shalt  }
0x7e: {  	_ =	shalt  }
0x7f: {  	_ =	shalt  }
0x80: {  	_ =	shalt  }
0x81: {  	_ =	shalt  }
0x82: {  	_ =	shalt  }
0x83: {  	_ =	shalt  }
0x84: {  	_ =	shalt  }
0x85: {  	_ =	shalt  }
0x86: {  	_ =	shalt  }
0x87: {  	_ =	shalt  }
.Lfunc_end0:
.L_simem_size_0:
called_computation.1_lowered:
.L_overlay_start_0:
0x88: {  	s2 =	sld [smem:$0x3FD9]  }
0x89: {  	s3 =	sld [smem:$0x3FFE];
	_ =	sdelay $0x1  }
0x8a: {  	s1 =	srdreg.scid  }
0x8b: {  	s0 =	sand.u32 $0x1, s1  }
0x8c: {  	s17 =	sshll.u32 s0, $0xA;
	s2 =	sadd.s32 s3, s2  }
0x8d: {  	s2 =	sadd.s32 s2, s17  }
0x8e: {  	[smem:$0x3FC1] =	sst s2  }
0x8f: {  	_ = 	snop  }
0x90: {  	s2 =	sld [smem:$0x3FD0];
	(tm) =	ssettm $0x1  }
0x91: {  	s18 =	sld [smem:$0x3FFB];
	_ =	sdelay $0x3  }
0x92: {  	_ =	strace s18  }
0x93: {  	s3 =	sld [smem:$0x3FFC];
	_ =	sdelay $0x3  }
0x94: {  	_ =	strace s3  }
0x95: {  	s3 =	sld [smem:$0x3FFD];
	_ =	sdelay $0x3  }
0x96: {  	_ =	strace s3  }
0x97: {  	_ =	strace $0x8FFFFFFF  }
0x98: {  	s19 =	sld [smem:$0x3FDB];
	_ =	sdelay $0x1  }
0x99: {  	s4 =	simm.s32 $_scs_section_size  }
0x9a: {  	s5 =	simm.s32 $_size__tile_overlayer_lowered;
	s6 =	simm.s32 $_tile_overlayer_lowered  }
0x9b: {  	s22 =	simm.s32 $0x1BFF;
	s21 =	sshll.u32 s6, $0x1;
	s3 =	sadd.s32 s4, s19  }
0x9c: {  	s7 =	simm.s32 $0x0;
	s20 =	sshll.u32 s5, $0x1;
	s5 =	sadd.s32 s21, s3  }
0x9d: {  	[timem:s7], [sflag:s22] =	dma.local [hbm:s5], s20  }
0x9e: {  	_ =	swait.ge [sflag:s22], s20  }
0x9f: {  	s4 =	ssub.s32 $0x0, s20;
	[sflag:s22] =	ssyncset.done $0x0  }
0xa0: {  	[sflag:s22] =	ssyncadd.s32 s4;
	_ =	sdelay $0x1  }
0xa1: {  	s23 =	simm.s32 $0x1B8B  }
0xa2: {  	_ =	swait.ge [sflag:s23], $0x1  }
0xa3: {  	[sflag:s23] =	ssyncset.done $0x0  }
0xa4: {  	s25 =	simm.s32 $0x1B8E;
	s24 =	sld [smem:$0x3FFE];
	[sflag:s23] =	ssyncadd.s32 $0xFFFFFFFF  }
0xa5: {  	s26 =	simm.s32 $execute0_lowered;
	[smem:$0x3FD2] =	sst s25  }
0xa6: {  	s5 =	sshll.u32 s26, $0x1;
	_ =	strace $0x80000049;
	[dreg:$0x1] =	wrdreg $0xFFFFFFFF  }
0xa7: {  	s28 =	simm.s32 $_size_execute0_lowered;
	s3 =	sadd.s32 s3, s5;
	[dreg:$0x0] =	wrdreg $0x0  }
0xa8: {  	s5 =	sshll.u32 s28, $0x1;
	[dreg:$0x2] =	wrdreg s3  }
0xa9: {  	[dreg:$0x3] =	wrdreg s5  }
0xaa: {  	[dreg:$0x4] =	wrdreg $0xC0  }
0xab: {  	_ =	task [dreg:s7], $0x5FFFF  }
0xac: {  	[dreg:$0x1] =	wrdreg $0xFFFFFFFF  }
0xad: {  	[dreg:$0x0] =	wrdreg $0x60  }
0xae: {  	[dreg:$0x2] =	wrdreg s24  }
0xaf: {  	[dreg:$0x3] =	wrdreg s2  }
0xb0: {  	[dreg:$0x4] =	wrdreg $0x9  }
0xb1: {  	_ =	task.clear_ibuf [dreg:s7], $0x5FFFF;
	_ =	strace $0x90000049  }
0xb2: {  	s29 =	simm.s32 $0x9;
	_ =	strace $0x8000004B  }
0xb3: {  	_ =	swait.ge [sflag:s29], $0x1  }
0xb4: {  	[sflag:s29] =	ssyncadd.s32 $0xFFFFFFFF  }
0xb5: {  	_ =	strace $0x9000004B  }
0xb6: {  	_ =	sfence  }
0xb7: {  	s30 =	sld [smem:$0x0];
	_ =	sdelay $0x2  }
0xb8: {  	s31 =	sshll.u32 s1, $0xD;
	s1 =	sshrl.u32 s1, $0x2  }
0xb9: {  	s3 =	sand.u32 $0x4000, s31;
	s1 =	sadd.s32 s1, s30  }
0xba: {  	s0 =	sor.u32 s3, s0;
	s1 =	sshll.u32 s1, $0x11  }
0xbb: {  	s0 =	sor.u32 s1, s0  }
0xbc: {  	s0 =	sadd.s32 $0x8F2B, s0  }
0xbd: {  	[sflag:s0] =	ssyncadd.remote.s32 $0x1  }
0xbe: {  	_ =	sfence.sel $0xFFFF  }
0xbf: {  	[dreg:$0x0] =	wrdreg $0xFFFFFFFF;
	(pc) =	sbr.abs _section_cstart, $3  }
0xc0: {  	[dreg:$0x1] =	wrdreg $0xFFFFFFFF  }
0xc1: {  	_ =	task.clear_ibuf [dreg:s7], $0x2FFFF;
	_ =	strace $0x9FFFFFFF  }
0xc2: {  	(tm) =	ssettm $0x7FFFFFFF  }
0xc3: {  	_ =	shalt  }
tec
execute0_lowered:
.L_overlay_start_1:
0x0: {  	(tag) =	ssettag $0x1  }
0x1: {  	s0 =	rddreg [dreg:$0x0]  }
0x2: {  	s5 =	rddreg [dreg:$0x1];
	s3 =	srdreg.scid  }
0x3: {  	s2 =	simm.s32 $0x0;
	s1 =	stileid.u32;
	s26 =	simm.s32 $0x880  }
0x4: {  	s10 =	simm.s32 $0x1880;
	s11 =	simm.s32 $0x2080;
	s12 =	simm.s32 $0x2880  }
0x5: {  	s13 =	simm.s32 $0x3080;
	s14 =	simm.s32 $0x3880;
	s15 =	simm.s32 $0x4080  }
0x6: {  	s16 =	simm.s32 $0x4880;
	s17 =	simm.s32 $0x5080;
	s18 =	simm.s32 $0x5880  }
0x7: {  	s19 =	simm.s32 $0x6080;
	s20 =	simm.s32 $0x6880;
	s21 =	simm.s32 $0x7080  }
0x8: {  	s22 =	simm.s32 $0x7880;
	s28 =	simm.s32 $0xA080;
	s29 =	simm.s32 $0xA880  }
0x9: {  	s30 =	simm.s32 $0xB080;
	s31 =	simm.s32 $0xB880;
	s3 =	sand.u32 $0x1, s3  }
0xa: {  	[smem:$0x7FF] =	sst s2;
	s4 =	sshll.u32 s1, $0x4;
	s6 =	sshll.u32 s3, $0x3  }
0xb: {  	_ =	strace $0x8000004A;
	s23 =	ssub.s32 $0x2, s3;
	s3 =	sadd.s32 $0xE00, s0  }
0xc: {  	[dreg:$0x5] =	wrdreg s26;
	s26 =	simm.s32 $0x9880;
	s4 =	sor.u32 s6, s4  }
0xd: {  	s8 =	sshrl.u32 s23, $0x1;
	s7 =	sadd.s32 s4, s0;
	s9 =	smul.u32 $0x300, s4  }
0xe: {  	s6 =	ssub.s32 s23, s8;
	s4 =	sadd.s32 $0xF00, s0;
	s8 =	simm.s32 $0x80  }
0xf: {  	s23 =	simm.s32 $0x8080;
	s24 =	sadd.s32 $0xC00, s7;
	s6 =	smax.u32 s6, $0x1  }
0x10: {  	v2 =	vlaneseq.u32;
	s7 =	simm.s32 $0x2;
	[dreg:$0x3] =	wrdreg s24;
	s25 =	sadd.s32 s5, s9  }
0x11: {  	vm0 =	vmmov $0xffff;
	v1 =	vshrl.u32 v2, $0x3;
	s5 =	sadd.s32 $0x1000, s0;
	s9 =	simm.s32 $0x1080;
	s24 =	simm.s32 $0x8880  }
0x12: {  	v0 =	vand.u32 $0x7, v2;
	v2 =	vor.u32 $0x8, v2;
	v1 =	vmul.u32 $0x8, v1;
	s0 =	simm.s32 $0x1;
	[dreg:$0x4] =	wrdreg s25;
	s25 =	simm.s32 $0x9080  }
.LBB2_1:
0x13: {  	s1 =	rddreg [dreg:$0x3]  }
0x14: {  	[tilespmem:s2], [sflag:$0x2] =	stream.linear.gather [hbm4b:s1+s2], $0x40, $0x38;
	[tilespmem:$0xC080] =	vst v63  }
0x15: {  	_ =	swait.ge [sflag:s7], $0x40  }
0x16: {  	[sflag:s7] =	ssyncset.done $0x0  }
0x17: {  	[sflag:s7] =	ssyncadd.s32 $0xFFFFFFC0  }
0x18: {  	v3 =	vld [tilespmem:$0x0];
	_ =	sdelay $0x4  }
0x19: {  	v4 =	vshrl.u32 v3, $0x3  }
0x1a: {  	v4 =	vmul.u32 $0x30, v4  }
0x1b: {  	v3 =	vand.u32 $0x7, v3  }
0x1c: {  	v3 =	vor.u32 v3, v4  }
0x1d: {  	v4 =	vperm.xlane v3, v0;
	_ =	sdelay $0x1  }
0x1e: {  	v4 =	vadd.s32 v1, v4;
	_ =	sdelay $0x3  }
0x1f: {  	v3 =	vperm.xlane v3, v2  }
0x20: {  	[tilespmem:s8], [sflag:$0x1] =	stream.indirect_vreg.gather [hbm4b:s3+s2], $0x80, v4, vm0, $0xb8;
	[tilespmem:$0xC080] =	vst v63  }
0x21: {  	s1 =	rddreg [dreg:$0x5];
	v3 =	vadd.s32 v1, v3  }
0x22: {  	[tilespmem:s1], [sflag:$0x1] =	stream.indirect_vreg.gather [hbm4b:s4+s2], $0x80, v4, vm0, $0xb8;
	[tilespmem:$0xC080] =	vst v63  }
0x23: {  	_ = 	snop  }
0x24: {  	[tilespmem:s9], [sflag:$0x1] =	stream.indirect_vreg.gather [hbm4b:s5+s2], $0x80, v4, vm0, $0xb8;
	[tilespmem:$0xC080] =	vst v63  }
0x25: {  	_ = 	snop  }
0x26: {  	[tilespmem:s10], [sflag:$0x1] =	stream.indirect_vreg.gather [hbm4b:s3+s2], $0x80, v3, vm0, $0xb8;
	[tilespmem:$0xC080] =	vst v63  }
0x27: {  	_ = 	snop  }
0x28: {  	[tilespmem:s11], [sflag:$0x1] =	stream.indirect_vreg.gather [hbm4b:s4+s2], $0x80, v3, vm0, $0xb8;
	[tilespmem:$0xC080] =	vst v63  }
0x29: {  	_ = 	snop  }
0x2a: {  	[tilespmem:s12], [sflag:$0x1] =	stream.indirect_vreg.gather [hbm4b:s5+s2], $0x80, v3, vm0, $0xb8;
	[tilespmem:$0xC080] =	vst v63  }
0x2b: {  	v3 =	vld [tilespmem:$0x10];
	_ =	sdelay $0x4  }
0x2c: {  	v61 =	vshrl.u32 v3, $0x3  }
0x2d: {  	v4 =	vmul.u32 $0x30, v61  }
0x2e: {  	v3 =	vand.u32 $0x7, v3  }
0x2f: {  	v3 =	vor.u32 v3, v4  }
0x30: {  	v4 =	vperm.xlane v3, v0;
	_ =	sdelay $0x1  }
0x31: {  	v4 =	vadd.s32 v1, v4;
	_ =	sdelay $0x3  }
0x32: {  	v3 =	vperm.xlane v3, v2  }
0x33: {  	[tilespmem:s13], [sflag:$0x1] =	stream.indirect_vreg.gather [hbm4b:s3+s2], $0x80, v4, vm0, $0xb8;
	[tilespmem:$0xC080] =	vst v63  }
0x34: {  	v3 =	vadd.s32 v1, v3  }
0x35: {  	[tilespmem:s14], [sflag:$0x1] =	stream.indirect_vreg.gather [hbm4b:s4+s2], $0x80, v4, vm0, $0xb8;
	[tilespmem:$0xC080] =	vst v63  }
0x36: {  	_ = 	snop  }
0x37: {  	[tilespmem:s15], [sflag:$0x1] =	stream.indirect_vreg.gather [hbm4b:s5+s2], $0x80, v4, vm0, $0xb8;
	[tilespmem:$0xC080] =	vst v63  }
0x38: {  	_ = 	snop  }
0x39: {  	[tilespmem:s16], [sflag:$0x1] =	stream.indirect_vreg.gather [hbm4b:s3+s2], $0x80, v3, vm0, $0xb8;
	[tilespmem:$0xC080] =	vst v63  }
0x3a: {  	_ = 	snop  }
0x3b: {  	[tilespmem:s17], [sflag:$0x1] =	stream.indirect_vreg.gather [hbm4b:s4+s2], $0x80, v3, vm0, $0xb8;
	[tilespmem:$0xC080] =	vst v63  }
0x3c: {  	_ = 	snop  }
0x3d: {  	[tilespmem:s18], [sflag:$0x1] =	stream.indirect_vreg.gather [hbm4b:s5+s2], $0x80, v3, vm0, $0xb8;
	[tilespmem:$0xC080] =	vst v63  }
0x3e: {  	v3 =	vld [tilespmem:$0x20];
	_ =	sdelay $0x4  }
0x3f: {  	v62 =	vshrl.u32 v3, $0x3  }
0x40: {  	v4 =	vmul.u32 $0x30, v62  }
0x41: {  	v3 =	vand.u32 $0x7, v3  }
0x42: {  	v3 =	vor.u32 v3, v4  }
0x43: {  	v4 =	vperm.xlane v3, v0;
	_ =	sdelay $0x1  }
0x44: {  	v4 =	vadd.s32 v1, v4;
	_ =	sdelay $0x3  }
0x45: {  	v3 =	vperm.xlane v3, v2  }
0x46: {  	[tilespmem:s19], [sflag:$0x1] =	stream.indirect_vreg.gather [hbm4b:s3+s2], $0x80, v4, vm0, $0xb8;
	[tilespmem:$0xC080] =	vst v63  }
0x47: {  	v3 =	vadd.s32 v1, v3  }
0x48: {  	[tilespmem:s20], [sflag:$0x1] =	stream.indirect_vreg.gather [hbm4b:s4+s2], $0x80, v4, vm0, $0xb8;
	[tilespmem:$0xC080] =	vst v63  }
0x49: {  	_ = 	snop  }
0x4a: {  	[tilespmem:s21], [sflag:$0x1] =	stream.indirect_vreg.gather [hbm4b:s5+s2], $0x80, v4, vm0, $0xb8;
	[tilespmem:$0xC080] =	vst v63  }
0x4b: {  	_ = 	snop  }
0x4c: {  	[tilespmem:s22], [sflag:$0x1] =	stream.indirect_vreg.gather [hbm4b:s3+s2], $0x80, v3, vm0, $0xb8;
	[tilespmem:$0xC080] =	vst v63  }
0x4d: {  	_ = 	snop  }
0x4e: {  	[tilespmem:s23], [sflag:$0x1] =	stream.indirect_vreg.gather [hbm4b:s4+s2], $0x80, v3, vm0, $0xb8;
	[tilespmem:$0xC080] =	vst v63  }
0x4f: {  	_ = 	snop  }
0x50: {  	[tilespmem:s24], [sflag:$0x1] =	stream.indirect_vreg.gather [hbm4b:s5+s2], $0x80, v3, vm0, $0xb8;
	[tilespmem:$0xC080] =	vst v63  }
0x51: {  	v3 =	vld [tilespmem:$0x30];
	_ =	sdelay $0x4  }
0x52: {  	v63 =	vshrl.u32 v3, $0x3  }
0x53: {  	v4 =	vmul.u32 $0x30, v63  }
0x54: {  	v3 =	vand.u32 $0x7, v3  }
0x55: {  	v3 =	vor.u32 v3, v4  }
0x56: {  	v4 =	vperm.xlane v3, v0;
	_ =	sdelay $0x1  }
0x57: {  	v4 =	vadd.s32 v1, v4;
	_ =	sdelay $0x3  }
0x58: {  	v3 =	vperm.xlane v3, v2  }
0x59: {  	[tilespmem:s25], [sflag:$0x1] =	stream.indirect_vreg.gather [hbm4b:s3+s2], $0x80, v4, vm0, $0xb8;
	[tilespmem:$0xC080] =	vst v63  }
0x5a: {  	v3 =	vadd.s32 v1, v3  }
0x5b: {  	[tilespmem:s26], [sflag:$0x1] =	stream.indirect_vreg.gather [hbm4b:s4+s2], $0x80, v4, vm0, $0xb8;
	[tilespmem:$0xC080] =	vst v63  }
0x5c: {  	_ = 	snop  }
0x5d: {  	[tilespmem:s28], [sflag:$0x1] =	stream.indirect_vreg.gather [hbm4b:s5+s2], $0x80, v4, vm0, $0xb8;
	[tilespmem:$0xC080] =	vst v63  }
0x5e: {  	_ = 	snop  }
0x5f: {  	[tilespmem:s29], [sflag:$0x1] =	stream.indirect_vreg.gather [hbm4b:s3+s2], $0x80, v3, vm0, $0xb8;
	[tilespmem:$0xC080] =	vst v63  }
0x60: {  	_ = 	snop  }
0x61: {  	[tilespmem:s30], [sflag:$0x1] =	stream.indirect_vreg.gather [hbm4b:s4+s2], $0x80, v3, vm0, $0xb8;
	[tilespmem:$0xC080] =	vst v63  }
0x62: {  	_ = 	snop  }
0x63: {  	[tilespmem:s31], [sflag:$0x1] =	stream.indirect_vreg.gather [hbm4b:s5+s2], $0x80, v3, vm0, $0xb8;
	[tilespmem:$0xC080] =	vst v63  }
0x64: {  	_ =	swait.ge [sflag:s0], $0xC000  }
0x65: {  	p0 =	sne.s32 s6, $0x1;
	[sflag:s0] =	ssyncset.done $0x0  }
.Ltmp0:
0x66: {  	s1 =	rddreg [dreg:$0x4];
	[sflag:s0] =	ssyncadd.s32 $0xFFFF4000;
	(pc) =	sbr.rel @p0 .LBB2_1-.Ltmp0, $4  }
0x67: {  	[hbm4b:s1+s2] =	stream.linear.scatter [tilespmem:s8], [sflag:$0x2], $0xC000, $0x38;
	[tilespmem:$0xC080] =	vst v63  }
0x68: {  	_ =	swait.ge [sflag:s7], $0xC000  }
0x69: {  	[sflag:s7] =	ssyncset.done $0x0  }
0x6a: {  	s6 =	sadd.s32 $0xFFFFFFFF, s6;
	[sflag:s7] =	ssyncadd.s32 $0xFFFF4000  }
0x6b: {  	_ =	sfence.sel $0x180000  }
0x6c: {  	[bflag:$0x0] =	sbarrier.arrive $0xFFFF  }
0x6d: {  	_ =	strace $0x9000004A  }
0x6e: {  	s0 =	stileid.u32;
	[bflag:$0x2] =	sbarrier.arrive $0xFFFF  }
0x6f: {  	p0 =	sne.s32 s0, $0x0;
	s0 =	rddreg [dreg:$0x2]  }
0x70: {  	s0 =	sadd.s32 @!p0 $0x100000, s0  }
0x71: {  	[sflag:s0] =	ssyncadd.tile.s32 @!p0 $0x1;
	_ =	shalt  }
.Lfunc_end2:
_tile_overlayer_lowered:
.L_overlay_start_2:
0x72: {  	(tag) =	ssettag $0x2  }
0x73: {  	s0 =	rddreg [dreg:$0x0];
	s2 =	stileid.u32  }
0x74: {  	s1 =	rddreg [dreg:$0x1];
	p0 =	sne.s32 s2, $0x0  }
0x75: {  	s3 =	rddreg [dreg:$0x2];
	[bflag:$0x3] =	sbarrier.arrive $0xFFFF;
	s2 =	simm.s32 @!p0 $0x1C02  }
0x76: {  	[timem:s3], [sflag:s2] =	dma.local @!p0 [hbm:s0], s1  }
0x77: {  	s0 =	simm.s32 @!p0 $0x2  }
0x78: {  	_ =	swait.ge @!p0 [sflag:s0], s1  }
0x79: {  	s1 =	ssub.s32 @!p0 $0x0, s1;
	[sflag:s0] =	ssyncset.done @!p0 $0x0  }
0x7a: {  	[sflag:s0] =	ssyncadd.s32 @!p0 s1  }
0x7b: {  	[bflag:$0x3] =	sbarrier.arrive $0xFFFF  }
0x7c: {  	_ =	shalt  }

</sc_bundles>
